<compile_context>
chip_gen: v7x
topology: tpu7x:2x2x1
jax: 0.10.2.dev20260603
libtpu: 0.0.44.dev20260713+nightly
codegen_flags: <defaults>
</compile_context>

<pallas_src>
import functools

import jax
import jax.numpy as jnp
from jax import lax
from jax.experimental import pallas as pl
from jax.experimental.pallas import tpu as pltpu
from jax.experimental.pallas import tpu_sc as plsc

_NC, _NS = 2, 16
_NW = _NC * _NS
_E = 320000
_N = 10000
_TW = 128
_CH = 1000
_EB = 3200


def _lrelu(v):
    return jnp.where(v >= 0, v, 0.01 * v)


def _dot(a, b):
    return jnp.dot(a, b, preferred_element_type=jnp.float32)



_EH = _E // 2


def _make_sc_gather2():
    epw = _EH // _NW
    nchunk = epw // _CH
    mesh = plsc.VectorSubcoreMesh(core_axis_name="c", subcore_axis_name="s")

    @functools.partial(
        pl.kernel,
        out_type=[jax.ShapeDtypeStruct((_EH, _TW), jnp.float32),
                  jax.ShapeDtypeStruct((_EH, _TW), jnp.float32)],
        mesh=mesh,
        scratch_types=[pltpu.VMEM((_CH,), jnp.int32),
                       pltpu.VMEM((_CH, _TW), jnp.float32),
                       pltpu.SemaphoreType.DMA],
    )
    def gather2(tabr, tabc, row, col, xr, xc, idx_v, rows_v, sem):
        wid = lax.axis_index("s") * _NC + lax.axis_index("c")
        base = wid * epw

        def body(i, carry):
            off = base + i * _CH
            pltpu.sync_copy(row.at[pl.ds(off, _CH)], idx_v)
            pltpu.async_copy(tabr.at[idx_v], rows_v, sem).wait()
            pltpu.sync_copy(rows_v, xr.at[pl.ds(off, _CH)])
            pltpu.sync_copy(col.at[pl.ds(off, _CH)], idx_v)
            pltpu.async_copy(tabc.at[idx_v], rows_v, sem).wait()
            pltpu.sync_copy(rows_v, xc.at[pl.ds(off, _CH)])
            return carry

        lax.fori_loop(0, nchunk, body, 0)

    return gather2


_CH2 = 8000


def _make_sc_scatter():
    nchunk = _EH // _CH2
    hch = _CH2 // 2
    ngrp = hch // 16
    mesh = plsc.VectorSubcoreMesh(core_axis_name="c", subcore_axis_name="s")

    @functools.partial(
        pl.kernel,
        out_type=jax.ShapeDtypeStruct((64 * _N,), jnp.float32),
        mesh=mesh,
        compiler_params=pltpu.CompilerParams(needs_layout_passes=False),
        scratch_types=[pltpu.VMEM((hch,), jnp.int32),
                       pltpu.VMEM((_CH2,), jnp.float32),
                       pltpu.VMEM((_CH2,), jnp.float32),
                       pltpu.VMEM((_N,), jnp.float32),
                       pltpu.VMEM((_N,), jnp.float32)],
    )
    def scatter_add(mt, colp, out, colp_v, va_v, vb_v, acc_a, acc_b):
        wid = lax.axis_index("s") * _NC + lax.axis_index("c")
        la = 2 * wid
        z16 = jnp.zeros((16,), jnp.float32)

        def zinit(i, carry):
            acc_a[pl.ds(i * 16, 16)] = z16
            acc_b[pl.ds(i * 16, 16)] = z16
            return carry

        lax.fori_loop(0, _N // 16, zinit, 0)

        def chunk(i, carry):
            off = i * _CH2
            pltpu.sync_copy(colp.at[pl.ds(i * hch, hch)], colp_v)
            pltpu.sync_copy(mt.at[pl.ds(la * _EH + off, _CH2)], va_v)
            pltpu.sync_copy(mt.at[pl.ds((la + 1) * _EH + off, _CH2)], vb_v)

            def grp(k, c2):
                pk = colp_v[pl.ds(k * 16, 16)]
                lo = pk & 0xFFFF
                hi = pk >> 16
                sl_lo = pl.ds(k * 16, 16)
                sl_hi = pl.ds(hch + k * 16, 16)
                plsc.addupdate_scatter(acc_a, [lo], va_v[sl_lo])
                plsc.addupdate_scatter(acc_b, [lo], vb_v[sl_lo])
                plsc.addupdate_scatter(acc_a, [hi], va_v[sl_hi])
                plsc.addupdate_scatter(acc_b, [hi], vb_v[sl_hi])
                return c2

            lax.fori_loop(0, ngrp, grp, 0)
            return carry

        lax.fori_loop(0, nchunk, chunk, 0)
        pltpu.sync_copy(acc_a, out.at[pl.ds(la * _N, _N)])
        pltpu.sync_copy(acc_b, out.at[pl.ds((la + 1) * _N, _N)])

    return scatter_add


def _make_sc_count():
    epw = _E // _NW
    mesh = plsc.VectorSubcoreMesh(core_axis_name="c", subcore_axis_name="s")

    @functools.partial(
        pl.kernel,
        out_type=jax.ShapeDtypeStruct((_NW * _N,), jnp.float32),
        mesh=mesh,
        compiler_params=pltpu.CompilerParams(needs_layout_passes=False),
        scratch_types=[pltpu.VMEM((epw,), jnp.int32),
                       pltpu.VMEM((_N,), jnp.float32)],
    )
    def count(col, out, col_v, acc):
        wid = lax.axis_index("s") * _NC + lax.axis_index("c")
        z16 = jnp.zeros((16,), jnp.float32)
        ones16 = jnp.ones((16,), jnp.float32)

        def zinit(i, carry):
            acc[pl.ds(i * 16, 16)] = z16
            return carry

        lax.fori_loop(0, _N // 16, zinit, 0)
        pltpu.sync_copy(col.at[pl.ds(wid * epw, epw)], col_v)

        def grp(k, carry):
            idx = col_v[pl.ds(k * 16, 16)]
            plsc.addupdate_scatter(acc, [idx], ones16)
            return carry

        lax.fori_loop(0, epw // 16, grp, 0)
        pltpu.sync_copy(acc, out.at[pl.ds(wid * _N, _N)])

    return count



def _tables(xx, uu, w1r_ref, w1c_ref, w1u_ref, b1_ref, wmr_ref, bm_ref,
            t_ref, u_ref):
    tvec = _dot(uu, w1u_ref[...]) + b1_ref[...]
    t_lo = _dot(xx, w1r_ref[...]) + tvec
    t_hi = _dot(xx, wmr_ref[...]) + bm_ref[...]
    t_ref[...] = jnp.concatenate([t_lo, t_hi], axis=1)
    ul = _dot(xx, w1c_ref[...])
    u_ref[...] = jnp.concatenate([ul, jnp.zeros_like(ul)], axis=1)


def _embed_body(x_ref, wn_ref, bn_ref, u_ref, wg_ref, bg_ref,
                w1r_ref, w1c_ref, w1u_ref, b1_ref, wmr_ref, bm_ref,
                xx_ref, uu_ref, t_ref, ut_ref):
    xx = _lrelu(_dot(x_ref[...], wn_ref[...]) + bn_ref[...])
    uu = _lrelu(_dot(u_ref[...], wg_ref[...]) + bg_ref[...])
    xx_ref[...] = xx
    uu_ref[...] = uu
    _tables(xx, uu, w1r_ref, w1c_ref, w1u_ref, b1_ref, wmr_ref, bm_ref,
            t_ref, ut_ref)


_embed_call = pl.pallas_call(
    _embed_body,
    out_shape=[jax.ShapeDtypeStruct((_N, 64), jnp.float32),
               jax.ShapeDtypeStruct((1, 32), jnp.float32),
               jax.ShapeDtypeStruct((_N, _TW), jnp.float32),
               jax.ShapeDtypeStruct((_N, _TW), jnp.float32)],
)


def _ea0_body(attr_ref, we_ref, be_ref, out_ref):
    out_ref[...] = _lrelu(_dot(attr_ref[...], we_ref[...]) + be_ref[...])


_ea0_call = pl.pallas_call(
    _ea0_body,
    grid=(_EH // _EB,),
    in_specs=[pl.BlockSpec((_EB, 16), lambda i: (i, 0)),
              pl.BlockSpec((16, 32), lambda i: (0, 0)),
              pl.BlockSpec((1, 32), lambda i: (0, 0))],
    out_specs=pl.BlockSpec((_EB, 32), lambda i: (i, 0)),
    out_shape=jax.ShapeDtypeStruct((_EH, 32), jnp.float32),
)


def _edge_body(ea_ref, xr_ref, xc_ref, w1e_ref, w2_ref, b2_ref, wme_ref,
               eaout_ref, mt_ref):
    ea = ea_ref[...]
    xr = xr_ref[...]
    h = _lrelu(xr[:, 0:64] + xc_ref[...][:, 0:64] + _dot(ea, w1e_ref[...]))
    ean = _dot(h, w2_ref[...]) + b2_ref[...]
    eaout_ref[...] = ea + ean
    m = _lrelu(xr[:, 64:128] + _dot(ean, wme_ref[...]))
    mt_ref[...] = m.T


def _eb(i):
    return (i, 0)


def _bc(i):
    return (0, 0)


_edge_call = pl.pallas_call(
    _edge_body,
    grid=(_EH // _EB,),
    in_specs=[pl.BlockSpec((_EB, 32), _eb),
              pl.BlockSpec((_EB, _TW), _eb),
              pl.BlockSpec((_EB, _TW), _eb),
              pl.BlockSpec((32, 64), _bc),
              pl.BlockSpec((64, 32), _bc),
              pl.BlockSpec((1, 32), _bc),
              pl.BlockSpec((32, 64), _bc)],
    out_specs=[pl.BlockSpec((_EB, 32), _eb),
               pl.BlockSpec((64, _EB), lambda i: (0, i))],
    out_shape=[jax.ShapeDtypeStruct((_EH, 32), jnp.float32),
               jax.ShapeDtypeStruct((64, _EH), jnp.float32)],
)


def _cntsum_body(cp_ref, out_ref):
    out_ref[...] = jnp.sum(cp_ref[...], axis=0, keepdims=True)


_cntsum_call = pl.pallas_call(
    _cntsum_body,
    out_shape=jax.ShapeDtypeStruct((1, _N), jnp.float32),
)


def _node_body(xx_ref, agga_ref, aggb_ref, cnt_ref, uu_ref, wa_ref, ba_ref,
               wb_ref, bb_ref, wg1_ref, bg1_ref, wg2_ref, bg2_ref,
               w1r_ref, w1c_ref, w1u_ref, b1_ref, wmr_ref, bm_ref,
               xxout_ref, uuout_ref, t_ref, ut_ref):
    xx = xx_ref[...]
    aggt = (agga_ref[...] + aggb_ref[...]) / jnp.maximum(cnt_ref[...], 1.0)
    agg = aggt.T
    uu = uu_ref[...]
    nin = jnp.concatenate(
        [xx, agg, jnp.broadcast_to(uu, (_N, 32))], axis=1)
    h = _lrelu(_dot(nin, wa_ref[...]) + ba_ref[...])
    xn = _dot(h, wb_ref[...]) + bb_ref[...]
    xmean = jnp.sum(xx, axis=0, keepdims=True) / float(_N)
    gin = jnp.concatenate([uu, xmean], axis=1)
    g = _lrelu(_dot(gin, wg1_ref[...]) + bg1_ref[...])
    un = _dot(g, wg2_ref[...]) + bg2_ref[...]
    xxn = xx + xn
    uun = uu + un
    xxout_ref[...] = xxn
    uuout_ref[...] = uun
    _tables(xxn, uun, w1r_ref, w1c_ref, w1u_ref, b1_ref, wmr_ref, bm_ref,
            t_ref, ut_ref)


_node_call = pl.pallas_call(
    _node_body,
    out_shape=[jax.ShapeDtypeStruct((_N, 64), jnp.float32),
               jax.ShapeDtypeStruct((1, 32), jnp.float32),
               jax.ShapeDtypeStruct((_N, _TW), jnp.float32),
               jax.ShapeDtypeStruct((_N, _TW), jnp.float32)],
)


def _dec_body(ea_ref, wd_ref, bd_ref, out_ref):
    out_ref[...] = _dot(ea_ref[...], wd_ref[...]) + bd_ref[...]


_dec_call = pl.pallas_call(
    _dec_body,
    grid=(_EH // _EB,),
    in_specs=[pl.BlockSpec((_EB, 32), _eb),
              pl.BlockSpec((32, 1), _bc),
              pl.BlockSpec((1, 1), _bc)],
    out_specs=pl.BlockSpec((_EB, 1), _eb),
    out_shape=jax.ShapeDtypeStruct((_EH, 1), jnp.float32),
)


def _val_body(uu_ref, v1_ref, b1_ref, v2_ref, b2_ref, out_ref):
    g = _lrelu(_dot(uu_ref[...], v1_ref[...]) + b1_ref[...])
    out_ref[...] = _dot(g, v2_ref[...]) + b2_ref[...]


_val_call = pl.pallas_call(
    _val_body,
    out_shape=jax.ShapeDtypeStruct((1, 1), jnp.float32),
)


def _row(b):
    return b.reshape(1, -1)


def _tab_weights(mp):
    w1 = mp["edge_l1"]["W"]
    wm = mp["node_m1"]["W"]
    return (w1[0:64], w1[64:128], w1[160:192], _row(mp["edge_l1"]["b"]),
            wm[0:64], _row(mp["node_m1"]["b"]))


def kernel(x, edge_index, edge_attr, u, batch, params):
    del batch
    row, col = edge_index[0], edge_index[1]
    p = params
    mps = p["mp"]

    gather2 = _make_sc_gather2()
    scat = _make_sc_scatter()
    count = _make_sc_count()

    row_a, row_b = row[:_EH], row[_EH:]
    col_a, col_b = col[:_EH], col[_EH:]

    def _pack(c):
        r = c.reshape(-1, 2, _CH2 // 2)
        return (r[:, 0] | (r[:, 1] << 16)).reshape(-1)

    colp_a, colp_b = _pack(col_a), _pack(col_b)

    xx, uu, tab_r, tab_c = _embed_call(
        x, p["node_emb"]["W"], _row(p["node_emb"]["b"]),
        u, p["glob_emb"]["W"], _row(p["glob_emb"]["b"]),
        *_tab_weights(mps[0]))
    we, be = p["edge_emb"]["W"], _row(p["edge_emb"]["b"])
    ea_a = _ea0_call(edge_attr[:_EH], we, be)
    ea_b = _ea0_call(edge_attr[_EH:], we, be)
    cnt_row = _cntsum_call(count(col).reshape(_NW, _N))

    def st(arrs):
        return jnp.stack(arrs)

    edge_ws = (
        st([mp["edge_l1"]["W"][128:160] for mp in mps]),
        st([mp["edge_l2"]["W"] for mp in mps]),
        st([_row(mp["edge_l2"]["b"]) for mp in mps]),
        st([mp["node_m1"]["W"][64:96] for mp in mps]),
    )
    node_ws = (
        st([mp["node_m2a"]["W"] for mp in mps]),
        st([_row(mp["node_m2a"]["b"]) for mp in mps]),
        st([mp["node_m2b"]["W"] for mp in mps]),
        st([_row(mp["node_m2b"]["b"]) for mp in mps]),
        st([mp["glob_l1"]["W"] for mp in mps]),
        st([_row(mp["glob_l1"]["b"]) for mp in mps]),
        st([mp["glob_l2"]["W"] for mp in mps]),
        st([_row(mp["glob_l2"]["b"]) for mp in mps]),
    )
    tw = [_tab_weights(mps[1]), _tab_weights(mps[2])]
    tw.append(tuple(jnp.zeros_like(a) for a in tw[0]))
    tab_ws = tuple(st([t[k] for t in tw]) for k in range(6))

    def body(carry, ws):
        xx, uu, ea_a, ea_b, tab_r, tab_c = carry
        ew, nw, tbw = ws
        xr_a, xc_a = gather2(tab_r, tab_c, row_a, col_a)
        ea_a, mt_a = _edge_call(ea_a, xr_a, xc_a, *ew)
        xr_b, xc_b = gather2(tab_r, tab_c, row_b, col_b)
        agg_a = scat(mt_a.reshape(64 * _EH), colp_a)
        ea_b, mt_b = _edge_call(ea_b, xr_b, xc_b, *ew)
        agg_b = scat(mt_b.reshape(64 * _EH), colp_b)
        xx, uu, tab_r, tab_c = _node_call(
            xx, agg_a.reshape(64, _N), agg_b.reshape(64, _N), cnt_row, uu,
            *nw, *tbw)
        return (xx, uu, ea_a, ea_b, tab_r, tab_c), None

    (xx, uu, ea_a, ea_b, _, _), _ = lax.scan(
        body, (xx, uu, ea_a, ea_b, tab_r, tab_c), (edge_ws, node_ws, tab_ws))

    wd, bd = p["edge_dec"]["W"], _row(p["edge_dec"]["b"])
    edge_out = jnp.concatenate(
        [_dec_call(ea_a, wd, bd), _dec_call(ea_b, wd, bd)], axis=0)
    value = _val_call(uu, p["value1"]["W"], _row(p["value1"]["b"]),
                      p["value2"]["W"], _row(p["value2"]["b"]))
    return (edge_out, value)

# --- scband reference (transcript-rebuilt; emitter-appended) ---
"""Pipeline reference for scband-policy-multiple-mpgnn-35897336660645 (READ-ONLY COPY).

The authoritative reference and input builder live on the scoring server;
editing this copy changes nothing except your own understanding.
"""

import jax, jax.numpy as jnp
import numpy as np

N_NODES = 10000
N_EDGES = 320000
NODE_FEAT = 128; EDGE_FEAT = 16; GLOB_FEAT = 16
NODE_EMB = 64; EDGE_EMB = 32; GLOB_EMB = 32
EDGE_HID = 64; NODE_HID = 64; GLOB_HID = 32
EDGE_TGT = 32; NODE_TGT = 64; GLOB_TGT = 32
EDGE_OUT = 1; VALUE_EMB = 32; N_PASSES = 3


def _lin_init(key, din, dout):
    kW, kb = jax.random.split(key)
    return {"W": jax.random.normal(kW, (din, dout), jnp.float32) * 0.02,
            "b": jnp.zeros((dout,), jnp.float32)}


def _lin(p, x):
    return x @ p["W"] + p["b"]


def _lrelu(x):
    return jax.nn.leaky_relu(x, 0.01)


def setup_inputs(seed: int = 0) -> dict:
    key = jax.random.key(seed)
    keys = iter(jax.random.split(key, 48))
    x = jax.random.normal(next(keys), (N_NODES, NODE_FEAT), jnp.float32)
    edge_index = jax.random.randint(next(keys), (2, N_EDGES), 0, N_NODES, dtype=jnp.int32)
    edge_attr = jax.random.normal(next(keys), (N_EDGES, EDGE_FEAT), jnp.float32)
    u = jax.random.normal(next(keys), (1, GLOB_FEAT), jnp.float32)
    batch = jnp.zeros((N_NODES,), jnp.int32)
    params = {
        "edge_emb": _lin_init(next(keys), EDGE_FEAT, EDGE_EMB),
        "node_emb": _lin_init(next(keys), NODE_FEAT, NODE_EMB),
        "glob_emb": _lin_init(next(keys), GLOB_FEAT, GLOB_EMB),
        "mp": [],
        "edge_dec": _lin_init(next(keys), EDGE_TGT, EDGE_OUT),
        "value1": _lin_init(next(keys), GLOB_TGT, VALUE_EMB),
        "value2": _lin_init(next(keys), VALUE_EMB, 1),
    }
    for _ in range(N_PASSES):
        params["mp"].append({
            "edge_l1": _lin_init(next(keys), 2 * NODE_TGT + EDGE_TGT + GLOB_TGT, EDGE_HID),
            "edge_l2": _lin_init(next(keys), EDGE_HID, EDGE_TGT),
            "node_m1": _lin_init(next(keys), NODE_TGT + EDGE_TGT, NODE_HID),
            "node_m2a": _lin_init(next(keys), NODE_TGT + NODE_HID + GLOB_TGT, NODE_HID),
            "node_m2b": _lin_init(next(keys), NODE_HID, NODE_TGT),
            "glob_l1": _lin_init(next(keys), GLOB_TGT + NODE_TGT, GLOB_HID),
            "glob_l2": _lin_init(next(keys), GLOB_HID, GLOB_TGT),
        })
    return {"x": x, "edge_index": edge_index, "edge_attr": edge_attr, "u": u, "batch": batch, "params": params}


def _forward(x, edge_index, edge_attr, u, batch, params):
    # embedding stage
    ea = _lrelu(_lin(params["edge_emb"], edge_attr))
    xx = _lrelu(_lin(params["node_emb"], x))
    uu = _lrelu(_lin(params["glob_emb"], u))
    row, col = edge_index[0], edge_index[1]
    n_nodes = xx.shape[0]
    n_graphs = uu.shape[0]
    # message passing with residual connections (MetaLayer per pass)
    for mp in params["mp"]:
        # EdgeModel: cat(src, dest, edge_attr, u[batch[row]]) -> MLP
        eb = batch[row]
        ein = jnp.concatenate([xx[row], xx[col], ea, uu[eb]], axis=1)
        ea_new = _lin(mp["edge_l2"], _lrelu(_lin(mp["edge_l1"], ein)))
        # NodeModel: per-edge MLP then scatter-mean to dst, then node MLP
        m = _lrelu(_lin(mp["node_m1"], jnp.concatenate([xx[row], ea_new], axis=1)))
        ssum = jax.ops.segment_sum(m, col, num_segments=n_nodes)
        cnt = jax.ops.segment_sum(jnp.ones((m.shape[0],), jnp.float32), col, num_segments=n_nodes)
        agg = ssum / jnp.maximum(cnt, 1.0)[:, None]
        nin = jnp.concatenate([xx, agg, uu[batch]], axis=1)
        x_new = _lin(mp["node_m2b"], _lrelu(_lin(mp["node_m2a"], nin)))
        # GlobalModel: cat(u, mean of nodes per graph) -> MLP
        nsum = jax.ops.segment_sum(xx, batch, num_segments=n_graphs)
        ncnt = jax.ops.segment_sum(jnp.ones((n_nodes,), jnp.float32), batch, num_segments=n_graphs)
        xmean = nsum / jnp.maximum(ncnt, 1.0)[:, None]
        u_new = _lin(mp["glob_l2"], _lrelu(_lin(mp["glob_l1"], jnp.concatenate([uu, xmean], axis=1))))
        xx = xx + x_new
        ea = ea + ea_new
        uu = uu + u_new
    edge_out = _lin(params["edge_dec"], ea)
    value = _lin(params["value2"], _lrelu(_lin(params["value1"], uu)))
    return (edge_out, value)


def reference(x, edge_index, edge_attr, u, batch, params):
    return _forward(x, edge_index, edge_attr, u, batch, params)

if __name__ == "__main__":
    import jax
    _d = setup_inputs()
    print(jax.jit(kernel)(*tuple(_d.values())))

</pallas_src>

<mosaic_0001>
#map = affine_map<(d0, d1) -> (0)>
module attributes {stable_mosaic.version = 14 : i64} {
  func.func @count(%arg0: i32, %arg1: i32, %arg2: memref<320000xi32, #tpu.memory_space<hbm>>, %arg3: memref<320000xf32, #tpu.memory_space<hbm>>, %arg4: memref<10000xi32, #tpu.memory_space<vmem>>, %arg5: memref<10000xf32, #tpu.memory_space<vmem>>) attributes {dimension_semantics = [#tpu.dimension_semantics<core_parallel>, #tpu.dimension_semantics<subcore_parallel>], iteration_bounds = array<i64: 2, 16>, scalar_prefetch = 0 : i64, scratch_operands = 2 : i64, tpu.core_type = #tpu.core_type<sc_vector_subcore>, window_params = [{transform_indices = #map}, {transform_indices = #map}]} {
    %mul3A = arith.constant 2 : i32
    %mul3A_0 = arith.muli %arg1, %mul3A : i32
    %add3A = arith.addi %mul3A_0, %arg0 : i32
    %broadcast_in_dim3A = arith.constant 0.000000e+00 : f32
    %broadcast_in_dim3A_1 = vector.broadcast %broadcast_in_dim3A : f32 to vector<16xf32>
    %broadcast_in_dim3A_2 = arith.constant 1.000000e+00 : f32
    %broadcast_in_dim3A_3 = vector.broadcast %broadcast_in_dim3A_2 : f32 to vector<16xf32>
    %scan3A = arith.constant 0 : i32
    %scan3A_4 = arith.constant 0 : i32
    %scan3A_5 = arith.constant 625 : i32
    %scan3A_6 = arith.addi %scan3A_4, %scan3A_5 : i32
    %scan3A_7 = arith.constant 1 : i32
    scf.for %scan3A_19 = %scan3A_4 to %scan3A_6 step %scan3A_7  : i32 {
      %mul3A_20 = arith.constant 16 : i32
      %mul3A_21 = arith.muli %scan3A_19, %mul3A_20 : i32
      %swap3A = arith.index_cast %mul3A_21 : i32 to index
      %swap3A_22 = tpu.vector_load %arg5[%swap3A] {strides = array<i32>} : memref<10000xf32, #tpu.memory_space<vmem>>, vector<16xf32>,
      tpu.vector_store %arg5[%swap3A], %broadcast_in_dim3A_1 {strides = array<i32>} : memref<10000xf32, #tpu.memory_space<vmem>>, vector<16xf32>,
    }
    %scan3A_8 = arith.constant 625 : i32
    %mul3A_9 = arith.constant 10000 : i32
    %mul3A_10 = arith.muli %add3A, %mul3A_9 : i32
    "tpu.region"() ({
      %run_scoped3A = tpu.sem_alloc : memref<!tpu.dma_semaphore, #tpu.memory_space<semaphore_mem>>
      %dma_start3A = tpu.memref_slice %arg2[%mul3A_10] : memref<320000xi32, #tpu.memory_space<hbm>> -> memref<10000xi32, #tpu.memory_space<hbm>>
      %dma_start3A_19 = tpu.memref_slice %arg2[%mul3A_10] : memref<320000xi32, #tpu.memory_space<hbm>> -> memref<10000xi32, #tpu.memory_space<hbm>>
      tpu.enqueue_dma source(%dma_start3A_19 : memref<10000xi32, #tpu.memory_space<hbm>>) target(%arg4 : memref<10000xi32, #tpu.memory_space<vmem>>) target_semaphore(%run_scoped3A : memref<!tpu.dma_semaphore, #tpu.memory_space<semaphore_mem>>)
      %dma_wait3A = tpu.memref_slice %arg2[%mul3A_10] : memref<320000xi32, #tpu.memory_space<hbm>> -> memref<10000xi32, #tpu.memory_space<hbm>>
      %dma_wait3A_20 = tpu.memref_slice %arg2[%mul3A_10] : memref<320000xi32, #tpu.memory_space<hbm>> -> memref<10000xi32, #tpu.memory_space<hbm>>
      tpu.wait_dma2 semaphore(%run_scoped3A : memref<!tpu.dma_semaphore, #tpu.memory_space<semaphore_mem>>) src(%dma_wait3A_20 : memref<10000xi32, #tpu.memory_space<hbm>>) dst(%arg4 : memref<10000xi32, #tpu.memory_space<vmem>>)
      tpu.yield
    }) : () -> ()
    %scan3A_11 = arith.constant 0 : i32
    %scan3A_12 = arith.constant 0 : i32
    %scan3A_13 = arith.constant 625 : i32
    %scan3A_14 = arith.addi %scan3A_12, %scan3A_13 : i32
    %scan3A_15 = arith.constant 1 : i32
    scf.for %scan3A_19 = %scan3A_12 to %scan3A_14 step %scan3A_15  : i32 {
      %mul3A_20 = arith.constant 16 : i32
      %mul3A_21 = arith.muli %scan3A_19, %mul3A_20 : i32
      %get3A = arith.index_cast %mul3A_21 : i32 to index
      %get3A_22 = tpu.vector_load %arg4[%get3A] {strides = array<i32>} : memref<10000xi32, #tpu.memory_space<vmem>>, vector<16xi32>,
      tpu.vector_store_idx %arg5[%get3A_22], %broadcast_in_dim3A_3 {add = true} : memref<10000xf32, #tpu.memory_space<vmem>>[vector<16xi32>], vector<16xf32>,
    }
    %scan3A_16 = arith.constant 625 : i32
    %mul3A_17 = arith.constant 10000 : i32
    %mul3A_18 = arith.muli %add3A, %mul3A_17 : i32
    "tpu.region"() ({
      %run_scoped3A = tpu.sem_alloc : memref<!tpu.dma_semaphore, #tpu.memory_space<semaphore_mem>>
      %dma_start3A = tpu.memref_slice %arg3[%mul3A_18] : memref<320000xf32, #tpu.memory_space<hbm>> -> memref<10000xf32, #tpu.memory_space<hbm>>
      %dma_start3A_19 = tpu.memref_slice %arg3[%mul3A_18] : memref<320000xf32, #tpu.memory_space<hbm>> -> memref<10000xf32, #tpu.memory_space<hbm>>
      tpu.enqueue_dma source(%arg5 : memref<10000xf32, #tpu.memory_space<vmem>>) target(%dma_start3A_19 : memref<10000xf32, #tpu.memory_space<hbm>>) target_semaphore(%run_scoped3A : memref<!tpu.dma_semaphore, #tpu.memory_space<semaphore_mem>>)
      %dma_wait3A = tpu.memref_slice %arg3[%mul3A_18] : memref<320000xf32, #tpu.memory_space<hbm>> -> memref<10000xf32, #tpu.memory_space<hbm>>
      %dma_wait3A_20 = tpu.memref_slice %arg3[%mul3A_18] : memref<320000xf32, #tpu.memory_space<hbm>> -> memref<10000xf32, #tpu.memory_space<hbm>>
      tpu.wait_dma2 semaphore(%run_scoped3A : memref<!tpu.dma_semaphore, #tpu.memory_space<semaphore_mem>>) src(%arg5 : memref<10000xf32, #tpu.memory_space<vmem>>) dst(%dma_wait3A_20 : memref<10000xf32, #tpu.memory_space<hbm>>)
      tpu.yield
    }) : () -> ()
    return
  }
}

#map = affine_map<(d0, d1) -> (0, 0)>
#map1 = affine_map<(d0, d1) -> (0)>
module attributes {stable_mosaic.version = 14 : i64} {
  func.func @gather2(%arg0: i32, %arg1: i32, %arg2: memref<10000x128xf32, #tpu.memory_space<hbm>>, %arg3: memref<10000x128xf32, #tpu.memory_space<hbm>>, %arg4: memref<160000xi32, #tpu.memory_space<hbm>>, %arg5: memref<160000xi32, #tpu.memory_space<hbm>>, %arg6: memref<160000x128xf32, #tpu.memory_space<hbm>>, %arg7: memref<160000x128xf32, #tpu.memory_space<hbm>>, %arg8: memref<1000xi32, #tpu.memory_space<vmem>>, %arg9: memref<1000x128xf32, #tpu.memory_space<vmem>>, %arg10: memref<!tpu.dma_semaphore, #tpu.memory_space<semaphore_mem>>) attributes {dimension_semantics = [#tpu.dimension_semantics<core_parallel>, #tpu.dimension_semantics<subcore_parallel>], iteration_bounds = array<i64: 2, 16>, scalar_prefetch = 0 : i64, scratch_operands = 3 : i64, tpu.core_type = #tpu.core_type<sc_vector_subcore>, window_params = [{transform_indices = #map}, {transform_indices = #map}, {transform_indices = #map1}, {transform_indices = #map1}, {transform_indices = #map}, {transform_indices = #map}]} {
    %mul3A = arith.constant 2 : i32
    %mul3A_0 = arith.muli %arg1, %mul3A : i32
    %add3A = arith.addi %mul3A_0, %arg0 : i32
    %mul3A_1 = arith.constant 5000 : i32
    %mul3A_2 = arith.muli %add3A, %mul3A_1 : i32
    %scan3A = arith.constant 0 : i32
    %scan3A_3 = arith.constant 0 : i32
    %scan3A_4 = arith.constant 5 : i32
    %scan3A_5 = arith.addi %scan3A_3, %scan3A_4 : i32
    %scan3A_6 = arith.constant 1 : i32
    scf.for %scan3A_8 = %scan3A_3 to %scan3A_5 step %scan3A_6  : i32 {
      %mul3A_9 = arith.constant 1000 : i32
      %mul3A_10 = arith.muli %scan3A_8, %mul3A_9 : i32
      %add3A_11 = arith.addi %mul3A_2, %mul3A_10 : i32
      "tpu.region"() ({
        %run_scoped3A = tpu.sem_alloc : memref<!tpu.dma_semaphore, #tpu.memory_space<semaphore_mem>>
        %dma_start3A_22 = tpu.memref_slice %arg4[%add3A_11] : memref<160000xi32, #tpu.memory_space<hbm>> -> memref<1000xi32, #tpu.memory_space<hbm>>
        %dma_start3A_23 = tpu.memref_slice %arg4[%add3A_11] : memref<160000xi32, #tpu.memory_space<hbm>> -> memref<1000xi32, #tpu.memory_space<hbm>>
        tpu.enqueue_dma source(%dma_start3A_23 : memref<1000xi32, #tpu.memory_space<hbm>>) target(%arg8 : memref<1000xi32, #tpu.memory_space<vmem>>) target_semaphore(%run_scoped3A : memref<!tpu.dma_semaphore, #tpu.memory_space<semaphore_mem>>)
        %dma_wait3A_24 = tpu.memref_slice %arg4[%add3A_11] : memref<160000xi32, #tpu.memory_space<hbm>> -> memref<1000xi32, #tpu.memory_space<hbm>>
        %dma_wait3A_25 = tpu.memref_slice %arg4[%add3A_11] : memref<160000xi32, #tpu.memory_space<hbm>> -> memref<1000xi32, #tpu.memory_space<hbm>>
        tpu.wait_dma2 semaphore(%run_scoped3A : memref<!tpu.dma_semaphore, #tpu.memory_space<semaphore_mem>>) src(%dma_wait3A_25 : memref<1000xi32, #tpu.memory_space<hbm>>) dst(%arg8 : memref<1000xi32, #tpu.memory_space<vmem>>)
        tpu.yield
      }) : () -> ()
      %dma_start3A = arith.constant 0 : i32
      %dma_start3A_12 = arith.constant 0 : i32
      %dma_start3A_13 = tpu.memref_slice %arg2[%dma_start3A, %dma_start3A_12] : memref<10000x128xf32, #tpu.memory_space<hbm>> -> memref<10000x128xf32, #tpu.memory_space<hbm>>
      tpu.enqueue_indirect_dma source(%dma_start3A_13 : memref<10000x128xf32, #tpu.memory_space<hbm>>) target(%arg9 : memref<1000x128xf32, #tpu.memory_space<vmem>>) offsets(%arg8 : memref<1000xi32, #tpu.memory_space<vmem>>) semaphore(%arg10 : memref<!tpu.dma_semaphore, #tpu.memory_space<semaphore_mem>>)
      %dma_wait3A = arith.constant 0 : i32
      %dma_wait3A_14 = arith.constant 0 : i32
      %dma_wait3A_15 = tpu.memref_slice %arg2[%dma_wait3A, %dma_wait3A_14] : memref<10000x128xf32, #tpu.memory_space<hbm>> -> memref<10000x128xf32, #tpu.memory_space<hbm>>
      tpu.wait_indirect_dma semaphore(%arg10 : memref<!tpu.dma_semaphore, #tpu.memory_space<semaphore_mem>>) src(%dma_wait3A_15 : memref<10000x128xf32, #tpu.memory_space<hbm>>) dst(%arg9 : memref<1000x128xf32, #tpu.memory_space<vmem>>)
      "tpu.region"() ({
        %run_scoped3A = tpu.sem_alloc : memref<!tpu.dma_semaphore, #tpu.memory_space<semaphore_mem>>
        %dma_start3A_22 = arith.constant 0 : i32
        %dma_start3A_23 = tpu.memref_slice %arg6[%add3A_11, %dma_start3A_22] : memref<160000x128xf32, #tpu.memory_space<hbm>> -> memref<1000x128xf32, #tpu.memory_space<hbm>>
        %dma_start3A_24 = arith.constant 0 : i32
        %dma_start3A_25 = tpu.memref_slice %arg6[%add3A_11, %dma_start3A_24] : memref<160000x128xf32, #tpu.memory_space<hbm>> -> memref<1000x128xf32, #tpu.memory_space<hbm>>
        tpu.enqueue_dma source(%arg9 : memref<1000x128xf32, #tpu.memory_space<vmem>>) target(%dma_start3A_25 : memref<1000x128xf32, #tpu.memory_space<hbm>>) target_semaphore(%run_scoped3A : memref<!tpu.dma_semaphore, #tpu.memory_space<semaphore_mem>>)
        %dma_wait3A_26 = arith.constant 0 : i32
        %dma_wait3A_27 = tpu.memref_slice %arg6[%add3A_11, %dma_wait3A_26] : memref<160000x128xf32, #tpu.memory_space<hbm>> -> memref<1000x128xf32, #tpu.memory_space<hbm>>
        %dma_wait3A_28 = arith.constant 0 : i32
        %dma_wait3A_29 = tpu.memref_slice %arg6[%add3A_11, %dma_wait3A_28] : memref<160000x128xf32, #tpu.memory_space<hbm>> -> memref<1000x128xf32, #tpu.memory_space<hbm>>
        tpu.wait_dma2 semaphore(%run_scoped3A : memref<!tpu.dma_semaphore, #tpu.memory_space<semaphore_mem>>) src(%arg9 : memref<1000x128xf32, #tpu.memory_space<vmem>>) dst(%dma_wait3A_29 : memref<1000x128xf32, #tpu.memory_space<hbm>>)
        tpu.yield
      }) : () -> ()
      "tpu.region"() ({
        %run_scoped3A = tpu.sem_alloc : memref<!tpu.dma_semaphore, #tpu.memory_space<semaphore_mem>>
        %dma_start3A_22 = tpu.memref_slice %arg5[%add3A_11] : memref<160000xi32, #tpu.memory_space<hbm>> -> memref<1000xi32, #tpu.memory_space<hbm>>
        %dma_start3A_23 = tpu.memref_slice %arg5[%add3A_11] : memref<160000xi32, #tpu.memory_space<hbm>> -> memref<1000xi32, #tpu.memory_space<hbm>>
        tpu.enqueue_dma source(%dma_start3A_23 : memref<1000xi32, #tpu.memory_space<hbm>>) target(%arg8 : memref<1000xi32, #tpu.memory_space<vmem>>) target_semaphore(%run_scoped3A : memref<!tpu.dma_semaphore, #tpu.memory_space<semaphore_mem>>)
        %dma_wait3A_24 = tpu.memref_slice %arg5[%add3A_11] : memref<160000xi32, #tpu.memory_space<hbm>> -> memref<1000xi32, #tpu.memory_space<hbm>>
        %dma_wait3A_25 = tpu.memref_slice %arg5[%add3A_11] : memref<160000xi32, #tpu.memory_space<hbm>> -> memref<1000xi32, #tpu.memory_space<hbm>>
        tpu.wait_dma2 semaphore(%run_scoped3A : memref<!tpu.dma_semaphore, #tpu.memory_space<semaphore_mem>>) src(%dma_wait3A_25 : memref<1000xi32, #tpu.memory_space<hbm>>) dst(%arg8 : memref<1000xi32, #tpu.memory_space<vmem>>)
        tpu.yield
      }) : () -> ()
      %dma_start3A_16 = arith.constant 0 : i32
      %dma_start3A_17 = arith.constant 0 : i32
      %dma_start3A_18 = tpu.memref_slice %arg3[%dma_start3A_16, %dma_start3A_17] : memref<10000x128xf32, #tpu.memory_space<hbm>> -> memref<10000x128xf32, #tpu.memory_space<hbm>>
      tpu.enqueue_indirect_dma source(%dma_start3A_18 : memref<10000x128xf32, #tpu.memory_space<hbm>>) target(%arg9 : memref<1000x128xf32, #tpu.memory_space<vmem>>) offsets(%arg8 : memref<1000xi32, #tpu.memory_space<vmem>>) semaphore(%arg10 : memref<!tpu.dma_semaphore, #tpu.memory_space<semaphore_mem>>)
      %dma_wait3A_19 = arith.constant 0 : i32
      %dma_wait3A_20 = arith.constant 0 : i32
      %dma_wait3A_21 = tpu.memref_slice %arg3[%dma_wait3A_19, %dma_wait3A_20] : memref<10000x128xf32, #tpu.memory_space<hbm>> -> memref<10000x128xf32, #tpu.memory_space<hbm>>
      tpu.wait_indirect_dma semaphore(%arg10 : memref<!tpu.dma_semaphore, #tpu.memory_space<semaphore_mem>>) src(%dma_wait3A_21 : memref<10000x128xf32, #tpu.memory_space<hbm>>) dst(%arg9 : memref<1000x128xf32, #tpu.memory_space<vmem>>)
      "tpu.region"() ({
        %run_scoped3A = tpu.sem_alloc : memref<!tpu.dma_semaphore, #tpu.memory_space<semaphore_mem>>
        %dma_start3A_22 = arith.constant 0 : i32
        %dma_start3A_23 = tpu.memref_slice %arg7[%add3A_11, %dma_start3A_22] : memref<160000x128xf32, #tpu.memory_space<hbm>> -> memref<1000x128xf32, #tpu.memory_space<hbm>>
        %dma_start3A_24 = arith.constant 0 : i32
        %dma_start3A_25 = tpu.memref_slice %arg7[%add3A_11, %dma_start3A_24] : memref<160000x128xf32, #tpu.memory_space<hbm>> -> memref<1000x128xf32, #tpu.memory_space<hbm>>
        tpu.enqueue_dma source(%arg9 : memref<1000x128xf32, #tpu.memory_space<vmem>>) target(%dma_start3A_25 : memref<1000x128xf32, #tpu.memory_space<hbm>>) target_semaphore(%run_scoped3A : memref<!tpu.dma_semaphore, #tpu.memory_space<semaphore_mem>>)
        %dma_wait3A_26 = arith.constant 0 : i32
        %dma_wait3A_27 = tpu.memref_slice %arg7[%add3A_11, %dma_wait3A_26] : memref<160000x128xf32, #tpu.memory_space<hbm>> -> memref<1000x128xf32, #tpu.memory_space<hbm>>
        %dma_wait3A_28 = arith.constant 0 : i32
        %dma_wait3A_29 = tpu.memref_slice %arg7[%add3A_11, %dma_wait3A_28] : memref<160000x128xf32, #tpu.memory_space<hbm>> -> memref<1000x128xf32, #tpu.memory_space<hbm>>
        tpu.wait_dma2 semaphore(%run_scoped3A : memref<!tpu.dma_semaphore, #tpu.memory_space<semaphore_mem>>) src(%arg9 : memref<1000x128xf32, #tpu.memory_space<vmem>>) dst(%dma_wait3A_29 : memref<1000x128xf32, #tpu.memory_space<hbm>>)
        tpu.yield
      }) : () -> ()
    }
    %scan3A_7 = arith.constant 5 : i32
    return
  }
}

#map = affine_map<(d0, d1) -> (0)>
module attributes {stable_mosaic.version = 14 : i64} {
  func.func @scatter_add(%arg0: i32, %arg1: i32, %arg2: memref<10240000xf32, #tpu.memory_space<hbm>>, %arg3: memref<80000xi32, #tpu.memory_space<hbm>>, %arg4: memref<640000xf32, #tpu.memory_space<hbm>>, %arg5: memref<4000xi32, #tpu.memory_space<vmem>>, %arg6: memref<8000xf32, #tpu.memory_space<vmem>>, %arg7: memref<8000xf32, #tpu.memory_space<vmem>>, %arg8: memref<10000xf32, #tpu.memory_space<vmem>>, %arg9: memref<10000xf32, #tpu.memory_space<vmem>>) attributes {dimension_semantics = [#tpu.dimension_semantics<core_parallel>, #tpu.dimension_semantics<subcore_parallel>], iteration_bounds = array<i64: 2, 16>, scalar_prefetch = 0 : i64, scratch_operands = 5 : i64, tpu.core_type = #tpu.core_type<sc_vector_subcore>, window_params = [{transform_indices = #map}, {transform_indices = #map}, {transform_indices = #map}]} {
    %mul3A = arith.constant 2 : i32
    %mul3A_0 = arith.muli %arg1, %mul3A : i32
    %add3A = arith.addi %mul3A_0, %arg0 : i32
    %mul3A_1 = arith.constant 2 : i32
    %mul3A_2 = arith.muli %mul3A_1, %add3A : i32
    %broadcast_in_dim3A = arith.constant 0.000000e+00 : f32
    %broadcast_in_dim3A_3 = vector.broadcast %broadcast_in_dim3A : f32 to vector<16xf32>
    %scan3A = arith.constant 0 : i32
    %scan3A_4 = arith.constant 0 : i32
    %scan3A_5 = arith.constant 625 : i32
    %scan3A_6 = arith.addi %scan3A_4, %scan3A_5 : i32
    %scan3A_7 = arith.constant 1 : i32
    scf.for %scan3A_21 = %scan3A_4 to %scan3A_6 step %scan3A_7  : i32 {
      %mul3A_22 = arith.constant 16 : i32
      %mul3A_23 = arith.muli %scan3A_21, %mul3A_22 : i32
      %swap3A = arith.index_cast %mul3A_23 : i32 to index
      %swap3A_24 = tpu.vector_load %arg8[%swap3A] {strides = array<i32>} : memref<10000xf32, #tpu.memory_space<vmem>>, vector<16xf32>,
      tpu.vector_store %arg8[%swap3A], %broadcast_in_dim3A_3 {strides = array<i32>} : memref<10000xf32, #tpu.memory_space<vmem>>, vector<16xf32>,
      %mul3A_25 = arith.constant 16 : i32
      %mul3A_26 = arith.muli %scan3A_21, %mul3A_25 : i32
      %swap3A_27 = arith.index_cast %mul3A_26 : i32 to index
      %swap3A_28 = tpu.vector_load %arg9[%swap3A_27] {strides = array<i32>} : memref<10000xf32, #tpu.memory_space<vmem>>, vector<16xf32>,
      tpu.vector_store %arg9[%swap3A_27], %broadcast_in_dim3A_3 {strides = array<i32>} : memref<10000xf32, #tpu.memory_space<vmem>>, vector<16xf32>,
    }
    %scan3A_8 = arith.constant 625 : i32
    %scan3A_9 = arith.constant 0 : i32
    %scan3A_10 = arith.constant 0 : i32
    %scan3A_11 = arith.constant 20 : i32
    %scan3A_12 = arith.addi %scan3A_10, %scan3A_11 : i32
    %scan3A_13 = arith.constant 1 : i32
    scf.for %scan3A_21 = %scan3A_10 to %scan3A_12 step %scan3A_13  : i32 {
      %mul3A_22 = arith.constant 8000 : i32
      %mul3A_23 = arith.muli %scan3A_21, %mul3A_22 : i32
      %mul3A_24 = arith.constant 4000 : i32
      %mul3A_25 = arith.muli %scan3A_21, %mul3A_24 : i32
      "tpu.region"() ({
        %run_scoped3A = tpu.sem_alloc : memref<!tpu.dma_semaphore, #tpu.memory_space<semaphore_mem>>
        %dma_start3A = tpu.memref_slice %arg3[%mul3A_25] : memref<80000xi32, #tpu.memory_space<hbm>> -> memref<4000xi32, #tpu.memory_space<hbm>>
        %dma_start3A_40 = tpu.memref_slice %arg3[%mul3A_25] : memref<80000xi32, #tpu.memory_space<hbm>> -> memref<4000xi32, #tpu.memory_space<hbm>>
        tpu.enqueue_dma source(%dma_start3A_40 : memref<4000xi32, #tpu.memory_space<hbm>>) target(%arg5 : memref<4000xi32, #tpu.memory_space<vmem>>) target_semaphore(%run_scoped3A : memref<!tpu.dma_semaphore, #tpu.memory_space<semaphore_mem>>)
        %dma_wait3A = tpu.memref_slice %arg3[%mul3A_25] : memref<80000xi32, #tpu.memory_space<hbm>> -> memref<4000xi32, #tpu.memory_space<hbm>>
        %dma_wait3A_41 = tpu.memref_slice %arg3[%mul3A_25] : memref<80000xi32, #tpu.memory_space<hbm>> -> memref<4000xi32, #tpu.memory_space<hbm>>
        tpu.wait_dma2 semaphore(%run_scoped3A : memref<!tpu.dma_semaphore, #tpu.memory_space<semaphore_mem>>) src(%dma_wait3A_41 : memref<4000xi32, #tpu.memory_space<hbm>>) dst(%arg5 : memref<4000xi32, #tpu.memory_space<vmem>>)
        tpu.yield
      }) : () -> ()
      %mul3A_26 = arith.constant 160000 : i32
      %mul3A_27 = arith.muli %mul3A_2, %mul3A_26 : i32
      %add3A_28 = arith.addi %mul3A_27, %mul3A_23 : i32
      "tpu.region"() ({
        %run_scoped3A = tpu.sem_alloc : memref<!tpu.dma_semaphore, #tpu.memory_space<semaphore_mem>>
        %dma_start3A = tpu.memref_slice %arg2[%add3A_28] : memref<10240000xf32, #tpu.memory_space<hbm>> -> memref<8000xf32, #tpu.memory_space<hbm>>
        %dma_start3A_40 = tpu.memref_slice %arg2[%add3A_28] : memref<10240000xf32, #tpu.memory_space<hbm>> -> memref<8000xf32, #tpu.memory_space<hbm>>
        tpu.enqueue_dma source(%dma_start3A_40 : memref<8000xf32, #tpu.memory_space<hbm>>) target(%arg6 : memref<8000xf32, #tpu.memory_space<vmem>>) target_semaphore(%run_scoped3A : memref<!tpu.dma_semaphore, #tpu.memory_space<semaphore_mem>>)
        %dma_wait3A = tpu.memref_slice %arg2[%add3A_28] : memref<10240000xf32, #tpu.memory_space<hbm>> -> memref<8000xf32, #tpu.memory_space<hbm>>
        %dma_wait3A_41 = tpu.memref_slice %arg2[%add3A_28] : memref<10240000xf32, #tpu.memory_space<hbm>> -> memref<8000xf32, #tpu.memory_space<hbm>>
        tpu.wait_dma2 semaphore(%run_scoped3A : memref<!tpu.dma_semaphore, #tpu.memory_space<semaphore_mem>>) src(%dma_wait3A_41 : memref<8000xf32, #tpu.memory_space<hbm>>) dst(%arg6 : memref<8000xf32, #tpu.memory_space<vmem>>)
        tpu.yield
      }) : () -> ()
      %add3A_29 = arith.constant 1 : i32
      %add3A_30 = arith.addi %mul3A_2, %add3A_29 : i32
      %mul3A_31 = arith.constant 160000 : i32
      %mul3A_32 = arith.muli %add3A_30, %mul3A_31 : i32
      %add3A_33 = arith.addi %mul3A_32, %mul3A_23 : i32
      "tpu.region"() ({
        %run_scoped3A = tpu.sem_alloc : memref<!tpu.dma_semaphore, #tpu.memory_space<semaphore_mem>>
        %dma_start3A = tpu.memref_slice %arg2[%add3A_33] : memref<10240000xf32, #tpu.memory_space<hbm>> -> memref<8000xf32, #tpu.memory_space<hbm>>
        %dma_start3A_40 = tpu.memref_slice %arg2[%add3A_33] : memref<10240000xf32, #tpu.memory_space<hbm>> -> memref<8000xf32, #tpu.memory_space<hbm>>
        tpu.enqueue_dma source(%dma_start3A_40 : memref<8000xf32, #tpu.memory_space<hbm>>) target(%arg7 : memref<8000xf32, #tpu.memory_space<vmem>>) target_semaphore(%run_scoped3A : memref<!tpu.dma_semaphore, #tpu.memory_space<semaphore_mem>>)
        %dma_wait3A = tpu.memref_slice %arg2[%add3A_33] : memref<10240000xf32, #tpu.memory_space<hbm>> -> memref<8000xf32, #tpu.memory_space<hbm>>
        %dma_wait3A_41 = tpu.memref_slice %arg2[%add3A_33] : memref<10240000xf32, #tpu.memory_space<hbm>> -> memref<8000xf32, #tpu.memory_space<hbm>>
        tpu.wait_dma2 semaphore(%run_scoped3A : memref<!tpu.dma_semaphore, #tpu.memory_space<semaphore_mem>>) src(%dma_wait3A_41 : memref<8000xf32, #tpu.memory_space<hbm>>) dst(%arg7 : memref<8000xf32, #tpu.memory_space<vmem>>)
        tpu.yield
      }) : () -> ()
      %scan3A_34 = arith.constant 0 : i32
      %scan3A_35 = arith.constant 0 : i32
      %scan3A_36 = arith.constant 250 : i32
      %scan3A_37 = arith.addi %scan3A_35, %scan3A_36 : i32
      %scan3A_38 = arith.constant 1 : i32
      scf.for %scan3A_40 = %scan3A_35 to %scan3A_37 step %scan3A_38  : i32 {
        %mul3A_41 = arith.constant 16 : i32
        %mul3A_42 = arith.muli %scan3A_40, %mul3A_41 : i32
        %get3A = arith.index_cast %mul3A_42 : i32 to index
        %get3A_43 = tpu.vector_load %arg5[%get3A] {strides = array<i32>} : memref<4000xi32, #tpu.memory_space<vmem>>, vector<16xi32>,
        %and3A = arith.constant 65535 : i32
        %and3A_44 = vector.broadcast %and3A : i32 to vector<16xi32>
        %and3A_45 = arith.andi %get3A_43, %and3A_44 : vector<16xi32>
        %shift_right_arithmetic3A = arith.constant 16 : i32
        %shift_right_arithmetic3A_46 = vector.broadcast %shift_right_arithmetic3A : i32 to vector<16xi32>
        %shift_right_arithmetic3A_47 = arith.shrsi %get3A_43, %shift_right_arithmetic3A_46 : vector<16xi32>
        %mul3A_48 = arith.constant 16 : i32
        %mul3A_49 = arith.muli %scan3A_40, %mul3A_48 : i32
        %mul3A_50 = arith.constant 16 : i32
        %mul3A_51 = arith.muli %scan3A_40, %mul3A_50 : i32
        %add3A_52 = arith.constant 4000 : i32
        %add3A_53 = arith.addi %add3A_52, %mul3A_51 : i32
        %get3A_54 = arith.index_cast %mul3A_49 : i32 to index
        %get3A_55 = tpu.vector_load %arg6[%get3A_54] {strides = array<i32>} : memref<8000xf32, #tpu.memory_space<vmem>>, vector<16xf32>,
        tpu.vector_store_idx %arg8[%and3A_45], %get3A_55 {add = true} : memref<10000xf32, #tpu.memory_space<vmem>>[vector<16xi32>], vector<16xf32>,
        %get3A_56 = arith.index_cast %mul3A_49 : i32 to index
        %get3A_57 = tpu.vector_load %arg7[%get3A_56] {strides = array<i32>} : memref<8000xf32, #tpu.memory_space<vmem>>, vector<16xf32>,
        tpu.vector_store_idx %arg9[%and3A_45], %get3A_57 {add = true} : memref<10000xf32, #tpu.memory_space<vmem>>[vector<16xi32>], vector<16xf32>,
        %get3A_58 = arith.index_cast %add3A_53 : i32 to index
        %get3A_59 = tpu.vector_load %arg6[%get3A_58] {strides = array<i32>} : memref<8000xf32, #tpu.memory_space<vmem>>, vector<16xf32>,
        tpu.vector_store_idx %arg8[%shift_right_arithmetic3A_47], %get3A_59 {add = true} : memref<10000xf32, #tpu.memory_space<vmem>>[vector<16xi32>], vector<16xf32>,
        %get3A_60 = arith.index_cast %add3A_53 : i32 to index
        %get3A_61 = tpu.vector_load %arg7[%get3A_60] {strides = array<i32>} : memref<8000xf32, #tpu.memory_space<vmem>>, vector<16xf32>,
        tpu.vector_store_idx %arg9[%shift_right_arithmetic3A_47], %get3A_61 {add = true} : memref<10000xf32, #tpu.memory_space<vmem>>[vector<16xi32>], vector<16xf32>,
      }
      %scan3A_39 = arith.constant 250 : i32
    }
    %scan3A_14 = arith.constant 20 : i32
    %mul3A_15 = arith.constant 10000 : i32
    %mul3A_16 = arith.muli %mul3A_2, %mul3A_15 : i32
    "tpu.region"() ({
      %run_scoped3A = tpu.sem_alloc : memref<!tpu.dma_semaphore, #tpu.memory_space<semaphore_mem>>
      %dma_start3A = tpu.memref_slice %arg4[%mul3A_16] : memref<640000xf32, #tpu.memory_space<hbm>> -> memref<10000xf32, #tpu.memory_space<hbm>>
      %dma_start3A_21 = tpu.memref_slice %arg4[%mul3A_16] : memref<640000xf32, #tpu.memory_space<hbm>> -> memref<10000xf32, #tpu.memory_space<hbm>>
      tpu.enqueue_dma source(%arg8 : memref<10000xf32, #tpu.memory_space<vmem>>) target(%dma_start3A_21 : memref<10000xf32, #tpu.memory_space<hbm>>) target_semaphore(%run_scoped3A : memref<!tpu.dma_semaphore, #tpu.memory_space<semaphore_mem>>)
      %dma_wait3A = tpu.memref_slice %arg4[%mul3A_16] : memref<640000xf32, #tpu.memory_space<hbm>> -> memref<10000xf32, #tpu.memory_space<hbm>>
      %dma_wait3A_22 = tpu.memref_slice %arg4[%mul3A_16] : memref<640000xf32, #tpu.memory_space<hbm>> -> memref<10000xf32, #tpu.memory_space<hbm>>
      tpu.wait_dma2 semaphore(%run_scoped3A : memref<!tpu.dma_semaphore, #tpu.memory_space<semaphore_mem>>) src(%arg8 : memref<10000xf32, #tpu.memory_space<vmem>>) dst(%dma_wait3A_22 : memref<10000xf32, #tpu.memory_space<hbm>>)
      tpu.yield
    }) : () -> ()
    %add3A_17 = arith.constant 1 : i32
    %add3A_18 = arith.addi %mul3A_2, %add3A_17 : i32
    %mul3A_19 = arith.constant 10000 : i32
    %mul3A_20 = arith.muli %add3A_18, %mul3A_19 : i32
    "tpu.region"() ({
      %run_scoped3A = tpu.sem_alloc : memref<!tpu.dma_semaphore, #tpu.memory_space<semaphore_mem>>
      %dma_start3A = tpu.memref_slice %arg4[%mul3A_20] : memref<640000xf32, #tpu.memory_space<hbm>> -> memref<10000xf32, #tpu.memory_space<hbm>>
      %dma_start3A_21 = tpu.memref_slice %arg4[%mul3A_20] : memref<640000xf32, #tpu.memory_space<hbm>> -> memref<10000xf32, #tpu.memory_space<hbm>>
      tpu.enqueue_dma source(%arg9 : memref<10000xf32, #tpu.memory_space<vmem>>) target(%dma_start3A_21 : memref<10000xf32, #tpu.memory_space<hbm>>) target_semaphore(%run_scoped3A : memref<!tpu.dma_semaphore, #tpu.memory_space<semaphore_mem>>)
      %dma_wait3A = tpu.memref_slice %arg4[%mul3A_20] : memref<640000xf32, #tpu.memory_space<hbm>> -> memref<10000xf32, #tpu.memory_space<hbm>>
      %dma_wait3A_22 = tpu.memref_slice %arg4[%mul3A_20] : memref<640000xf32, #tpu.memory_space<hbm>> -> memref<10000xf32, #tpu.memory_space<hbm>>
      tpu.wait_dma2 semaphore(%run_scoped3A : memref<!tpu.dma_semaphore, #tpu.memory_space<semaphore_mem>>) src(%arg9 : memref<10000xf32, #tpu.memory_space<vmem>>) dst(%dma_wait3A_22 : memref<10000xf32, #tpu.memory_space<hbm>>)
      tpu.yield
    }) : () -> ()
    return
  }
}

#map = affine_map<(d0, d1) -> (0, 0)>
#map1 = affine_map<(d0, d1) -> (0)>
module attributes {stable_mosaic.version = 14 : i64} {
  func.func @gather2(%arg0: i32, %arg1: i32, %arg2: memref<10000x128xf32, #tpu.memory_space<hbm>>, %arg3: memref<10000x128xf32, #tpu.memory_space<hbm>>, %arg4: memref<160000xi32, #tpu.memory_space<hbm>>, %arg5: memref<160000xi32, #tpu.memory_space<hbm>>, %arg6: memref<160000x128xf32, #tpu.memory_space<hbm>>, %arg7: memref<160000x128xf32, #tpu.memory_space<hbm>>, %arg8: memref<1000xi32, #tpu.memory_space<vmem>>, %arg9: memref<1000x128xf32, #tpu.memory_space<vmem>>, %arg10: memref<!tpu.dma_semaphore, #tpu.memory_space<semaphore_mem>>) attributes {dimension_semantics = [#tpu.dimension_semantics<core_parallel>, #tpu.dimension_semantics<subcore_parallel>], iteration_bounds = array<i64: 2, 16>, scalar_prefetch = 0 : i64, scratch_operands = 3 : i64, tpu.core_type = #tpu.core_type<sc_vector_subcore>, window_params = [{transform_indices = #map}, {transform_indices = #map}, {transform_indices = #map1}, {transform_indices = #map1}, {transform_indices = #map}, {transform_indices = #map}]} {
    %mul3A = arith.constant 2 : i32
    %mul3A_0 = arith.muli %arg1, %mul3A : i32
    %add3A = arith.addi %mul3A_0, %arg0 : i32
    %mul3A_1 = arith.constant 5000 : i32
    %mul3A_2 = arith.muli %add3A, %mul3A_1 : i32
    %scan3A = arith.constant 0 : i32
    %scan3A_3 = arith.constant 0 : i32
    %scan3A_4 = arith.constant 5 : i32
    %scan3A_5 = arith.addi %scan3A_3, %scan3A_4 : i32
    %scan3A_6 = arith.constant 1 : i32
    scf.for %scan3A_8 = %scan3A_3 to %scan3A_5 step %scan3A_6  : i32 {
      %mul3A_9 = arith.constant 1000 : i32
      %mul3A_10 = arith.muli %scan3A_8, %mul3A_9 : i32
      %add3A_11 = arith.addi %mul3A_2, %mul3A_10 : i32
      "tpu.region"() ({
        %run_scoped3A = tpu.sem_alloc : memref<!tpu.dma_semaphore, #tpu.memory_space<semaphore_mem>>
        %dma_start3A_22 = tpu.memref_slice %arg4[%add3A_11] : memref<160000xi32, #tpu.memory_space<hbm>> -> memref<1000xi32, #tpu.memory_space<hbm>>
        %dma_start3A_23 = tpu.memref_slice %arg4[%add3A_11] : memref<160000xi32, #tpu.memory_space<hbm>> -> memref<1000xi32, #tpu.memory_space<hbm>>
        tpu.enqueue_dma source(%dma_start3A_23 : memref<1000xi32, #tpu.memory_space<hbm>>) target(%arg8 : memref<1000xi32, #tpu.memory_space<vmem>>) target_semaphore(%run_scoped3A : memref<!tpu.dma_semaphore, #tpu.memory_space<semaphore_mem>>)
        %dma_wait3A_24 = tpu.memref_slice %arg4[%add3A_11] : memref<160000xi32, #tpu.memory_space<hbm>> -> memref<1000xi32, #tpu.memory_space<hbm>>
        %dma_wait3A_25 = tpu.memref_slice %arg4[%add3A_11] : memref<160000xi32, #tpu.memory_space<hbm>> -> memref<1000xi32, #tpu.memory_space<hbm>>
        tpu.wait_dma2 semaphore(%run_scoped3A : memref<!tpu.dma_semaphore, #tpu.memory_space<semaphore_mem>>) src(%dma_wait3A_25 : memref<1000xi32, #tpu.memory_space<hbm>>) dst(%arg8 : memref<1000xi32, #tpu.memory_space<vmem>>)
        tpu.yield
      }) : () -> ()
      %dma_start3A = arith.constant 0 : i32
      %dma_start3A_12 = arith.constant 0 : i32
      %dma_start3A_13 = tpu.memref_slice %arg2[%dma_start3A, %dma_start3A_12] : memref<10000x128xf32, #tpu.memory_space<hbm>> -> memref<10000x128xf32, #tpu.memory_space<hbm>>
      tpu.enqueue_indirect_dma source(%dma_start3A_13 : memref<10000x128xf32, #tpu.memory_space<hbm>>) target(%arg9 : memref<1000x128xf32, #tpu.memory_space<vmem>>) offsets(%arg8 : memref<1000xi32, #tpu.memory_space<vmem>>) semaphore(%arg10 : memref<!tpu.dma_semaphore, #tpu.memory_space<semaphore_mem>>)
      %dma_wait3A = arith.constant 0 : i32
      %dma_wait3A_14 = arith.constant 0 : i32
      %dma_wait3A_15 = tpu.memref_slice %arg2[%dma_wait3A, %dma_wait3A_14] : memref<10000x128xf32, #tpu.memory_space<hbm>> -> memref<10000x128xf32, #tpu.memory_space<hbm>>
      tpu.wait_indirect_dma semaphore(%arg10 : memref<!tpu.dma_semaphore, #tpu.memory_space<semaphore_mem>>) src(%dma_wait3A_15 : memref<10000x128xf32, #tpu.memory_space<hbm>>) dst(%arg9 : memref<1000x128xf32, #tpu.memory_space<vmem>>)
      "tpu.region"() ({
        %run_scoped3A = tpu.sem_alloc : memref<!tpu.dma_semaphore, #tpu.memory_space<semaphore_mem>>
        %dma_start3A_22 = arith.constant 0 : i32
        %dma_start3A_23 = tpu.memref_slice %arg6[%add3A_11, %dma_start3A_22] : memref<160000x128xf32, #tpu.memory_space<hbm>> -> memref<1000x128xf32, #tpu.memory_space<hbm>>
        %dma_start3A_24 = arith.constant 0 : i32
        %dma_start3A_25 = tpu.memref_slice %arg6[%add3A_11, %dma_start3A_24] : memref<160000x128xf32, #tpu.memory_space<hbm>> -> memref<1000x128xf32, #tpu.memory_space<hbm>>
        tpu.enqueue_dma source(%arg9 : memref<1000x128xf32, #tpu.memory_space<vmem>>) target(%dma_start3A_25 : memref<1000x128xf32, #tpu.memory_space<hbm>>) target_semaphore(%run_scoped3A : memref<!tpu.dma_semaphore, #tpu.memory_space<semaphore_mem>>)
        %dma_wait3A_26 = arith.constant 0 : i32
        %dma_wait3A_27 = tpu.memref_slice %arg6[%add3A_11, %dma_wait3A_26] : memref<160000x128xf32, #tpu.memory_space<hbm>> -> memref<1000x128xf32, #tpu.memory_space<hbm>>
        %dma_wait3A_28 = arith.constant 0 : i32
        %dma_wait3A_29 = tpu.memref_slice %arg6[%add3A_11, %dma_wait3A_28] : memref<160000x128xf32, #tpu.memory_space<hbm>> -> memref<1000x128xf32, #tpu.memory_space<hbm>>
        tpu.wait_dma2 semaphore(%run_scoped3A : memref<!tpu.dma_semaphore, #tpu.memory_space<semaphore_mem>>) src(%arg9 : memref<1000x128xf32, #tpu.memory_space<vmem>>) dst(%dma_wait3A_29 : memref<1000x128xf32, #tpu.memory_space<hbm>>)
        tpu.yield
      }) : () -> ()
      "tpu.region"() ({
        %run_scoped3A = tpu.sem_alloc : memref<!tpu.dma_semaphore, #tpu.memory_space<semaphore_mem>>
        %dma_start3A_22 = tpu.memref_slice %arg5[%add3A_11] : memref<160000xi32, #tpu.memory_space<hbm>> -> memref<1000xi32, #tpu.memory_space<hbm>>
        %dma_start3A_23 = tpu.memref_slice %arg5[%add3A_11] : memref<160000xi32, #tpu.memory_space<hbm>> -> memref<1000xi32, #tpu.memory_space<hbm>>
        tpu.enqueue_dma source(%dma_start3A_23 : memref<1000xi32, #tpu.memory_space<hbm>>) target(%arg8 : memref<1000xi32, #tpu.memory_space<vmem>>) target_semaphore(%run_scoped3A : memref<!tpu.dma_semaphore, #tpu.memory_space<semaphore_mem>>)
        %dma_wait3A_24 = tpu.memref_slice %arg5[%add3A_11] : memref<160000xi32, #tpu.memory_space<hbm>> -> memref<1000xi32, #tpu.memory_space<hbm>>
        %dma_wait3A_25 = tpu.memref_slice %arg5[%add3A_11] : memref<160000xi32, #tpu.memory_space<hbm>> -> memref<1000xi32, #tpu.memory_space<hbm>>
        tpu.wait_dma2 semaphore(%run_scoped3A : memref<!tpu.dma_semaphore, #tpu.memory_space<semaphore_mem>>) src(%dma_wait3A_25 : memref<1000xi32, #tpu.memory_space<hbm>>) dst(%arg8 : memref<1000xi32, #tpu.memory_space<vmem>>)
        tpu.yield
      }) : () -> ()
      %dma_start3A_16 = arith.constant 0 : i32
      %dma_start3A_17 = arith.constant 0 : i32
      %dma_start3A_18 = tpu.memref_slice %arg3[%dma_start3A_16, %dma_start3A_17] : memref<10000x128xf32, #tpu.memory_space<hbm>> -> memref<10000x128xf32, #tpu.memory_space<hbm>>
      tpu.enqueue_indirect_dma source(%dma_start3A_18 : memref<10000x128xf32, #tpu.memory_space<hbm>>) target(%arg9 : memref<1000x128xf32, #tpu.memory_space<vmem>>) offsets(%arg8 : memref<1000xi32, #tpu.memory_space<vmem>>) semaphore(%arg10 : memref<!tpu.dma_semaphore, #tpu.memory_space<semaphore_mem>>)
      %dma_wait3A_19 = arith.constant 0 : i32
      %dma_wait3A_20 = arith.constant 0 : i32
      %dma_wait3A_21 = tpu.memref_slice %arg3[%dma_wait3A_19, %dma_wait3A_20] : memref<10000x128xf32, #tpu.memory_space<hbm>> -> memref<10000x128xf32, #tpu.memory_space<hbm>>
      tpu.wait_indirect_dma semaphore(%arg10 : memref<!tpu.dma_semaphore, #tpu.memory_space<semaphore_mem>>) src(%dma_wait3A_21 : memref<10000x128xf32, #tpu.memory_space<hbm>>) dst(%arg9 : memref<1000x128xf32, #tpu.memory_space<vmem>>)
      "tpu.region"() ({
        %run_scoped3A = tpu.sem_alloc : memref<!tpu.dma_semaphore, #tpu.memory_space<semaphore_mem>>
        %dma_start3A_22 = arith.constant 0 : i32
        %dma_start3A_23 = tpu.memref_slice %arg7[%add3A_11, %dma_start3A_22] : memref<160000x128xf32, #tpu.memory_space<hbm>> -> memref<1000x128xf32, #tpu.memory_space<hbm>>
        %dma_start3A_24 = arith.constant 0 : i32
        %dma_start3A_25 = tpu.memref_slice %arg7[%add3A_11, %dma_start3A_24] : memref<160000x128xf32, #tpu.memory_space<hbm>> -> memref<1000x128xf32, #tpu.memory_space<hbm>>
        tpu.enqueue_dma source(%arg9 : memref<1000x128xf32, #tpu.memory_space<vmem>>) target(%dma_start3A_25 : memref<1000x128xf32, #tpu.memory_space<hbm>>) target_semaphore(%run_scoped3A : memref<!tpu.dma_semaphore, #tpu.memory_space<semaphore_mem>>)
        %dma_wait3A_26 = arith.constant 0 : i32
        %dma_wait3A_27 = tpu.memref_slice %arg7[%add3A_11, %dma_wait3A_26] : memref<160000x128xf32, #tpu.memory_space<hbm>> -> memref<1000x128xf32, #tpu.memory_space<hbm>>
        %dma_wait3A_28 = arith.constant 0 : i32
        %dma_wait3A_29 = tpu.memref_slice %arg7[%add3A_11, %dma_wait3A_28] : memref<160000x128xf32, #tpu.memory_space<hbm>> -> memref<1000x128xf32, #tpu.memory_space<hbm>>
        tpu.wait_dma2 semaphore(%run_scoped3A : memref<!tpu.dma_semaphore, #tpu.memory_space<semaphore_mem>>) src(%arg9 : memref<1000x128xf32, #tpu.memory_space<vmem>>) dst(%dma_wait3A_29 : memref<1000x128xf32, #tpu.memory_space<hbm>>)
        tpu.yield
      }) : () -> ()
    }
    %scan3A_7 = arith.constant 5 : i32
    return
  }
}

#map = affine_map<(d0, d1) -> (0)>
module attributes {stable_mosaic.version = 14 : i64} {
  func.func @scatter_add(%arg0: i32, %arg1: i32, %arg2: memref<10240000xf32, #tpu.memory_space<hbm>>, %arg3: memref<80000xi32, #tpu.memory_space<hbm>>, %arg4: memref<640000xf32, #tpu.memory_space<hbm>>, %arg5: memref<4000xi32, #tpu.memory_space<vmem>>, %arg6: memref<8000xf32, #tpu.memory_space<vmem>>, %arg7: memref<8000xf32, #tpu.memory_space<vmem>>, %arg8: memref<10000xf32, #tpu.memory_space<vmem>>, %arg9: memref<10000xf32, #tpu.memory_space<vmem>>) attributes {dimension_semantics = [#tpu.dimension_semantics<core_parallel>, #tpu.dimension_semantics<subcore_parallel>], iteration_bounds = array<i64: 2, 16>, scalar_prefetch = 0 : i64, scratch_operands = 5 : i64, tpu.core_type = #tpu.core_type<sc_vector_subcore>, window_params = [{transform_indices = #map}, {transform_indices = #map}, {transform_indices = #map}]} {
    %mul3A = arith.constant 2 : i32
    %mul3A_0 = arith.muli %arg1, %mul3A : i32
    %add3A = arith.addi %mul3A_0, %arg0 : i32
    %mul3A_1 = arith.constant 2 : i32
    %mul3A_2 = arith.muli %mul3A_1, %add3A : i32
    %broadcast_in_dim3A = arith.constant 0.000000e+00 : f32
    %broadcast_in_dim3A_3 = vector.broadcast %broadcast_in_dim3A : f32 to vector<16xf32>
    %scan3A = arith.constant 0 : i32
    %scan3A_4 = arith.constant 0 : i32
    %scan3A_5 = arith.constant 625 : i32
    %scan3A_6 = arith.addi %scan3A_4, %scan3A_5 : i32
    %scan3A_7 = arith.constant 1 : i32
    scf.for %scan3A_21 = %scan3A_4 to %scan3A_6 step %scan3A_7  : i32 {
      %mul3A_22 = arith.constant 16 : i32
      %mul3A_23 = arith.muli %scan3A_21, %mul3A_22 : i32
      %swap3A = arith.index_cast %mul3A_23 : i32 to index
      %swap3A_24 = tpu.vector_load %arg8[%swap3A] {strides = array<i32>} : memref<10000xf32, #tpu.memory_space<vmem>>, vector<16xf32>,
      tpu.vector_store %arg8[%swap3A], %broadcast_in_dim3A_3 {strides = array<i32>} : memref<10000xf32, #tpu.memory_space<vmem>>, vector<16xf32>,
      %mul3A_25 = arith.constant 16 : i32
      %mul3A_26 = arith.muli %scan3A_21, %mul3A_25 : i32
      %swap3A_27 = arith.index_cast %mul3A_26 : i32 to index
      %swap3A_28 = tpu.vector_load %arg9[%swap3A_27] {strides = array<i32>} : memref<10000xf32, #tpu.memory_space<vmem>>, vector<16xf32>,
      tpu.vector_store %arg9[%swap3A_27], %broadcast_in_dim3A_3 {strides = array<i32>} : memref<10000xf32, #tpu.memory_space<vmem>>, vector<16xf32>,
    }
    %scan3A_8 = arith.constant 625 : i32
    %scan3A_9 = arith.constant 0 : i32
    %scan3A_10 = arith.constant 0 : i32
    %scan3A_11 = arith.constant 20 : i32
    %scan3A_12 = arith.addi %scan3A_10, %scan3A_11 : i32
    %scan3A_13 = arith.constant 1 : i32
    scf.for %scan3A_21 = %scan3A_10 to %scan3A_12 step %scan3A_13  : i32 {
      %mul3A_22 = arith.constant 8000 : i32
      %mul3A_23 = arith.muli %scan3A_21, %mul3A_22 : i32
      %mul3A_24 = arith.constant 4000 : i32
      %mul3A_25 = arith.muli %scan3A_21, %mul3A_24 : i32
      "tpu.region"() ({
        %run_scoped3A = tpu.sem_alloc : memref<!tpu.dma_semaphore, #tpu.memory_space<semaphore_mem>>
        %dma_start3A = tpu.memref_slice %arg3[%mul3A_25] : memref<80000xi32, #tpu.memory_space<hbm>> -> memref<4000xi32, #tpu.memory_space<hbm>>
        %dma_start3A_40 = tpu.memref_slice %arg3[%mul3A_25] : memref<80000xi32, #tpu.memory_space<hbm>> -> memref<4000xi32, #tpu.memory_space<hbm>>
        tpu.enqueue_dma source(%dma_start3A_40 : memref<4000xi32, #tpu.memory_space<hbm>>) target(%arg5 : memref<4000xi32, #tpu.memory_space<vmem>>) target_semaphore(%run_scoped3A : memref<!tpu.dma_semaphore, #tpu.memory_space<semaphore_mem>>)
        %dma_wait3A = tpu.memref_slice %arg3[%mul3A_25] : memref<80000xi32, #tpu.memory_space<hbm>> -> memref<4000xi32, #tpu.memory_space<hbm>>
        %dma_wait3A_41 = tpu.memref_slice %arg3[%mul3A_25] : memref<80000xi32, #tpu.memory_space<hbm>> -> memref<4000xi32, #tpu.memory_space<hbm>>
        tpu.wait_dma2 semaphore(%run_scoped3A : memref<!tpu.dma_semaphore, #tpu.memory_space<semaphore_mem>>) src(%dma_wait3A_41 : memref<4000xi32, #tpu.memory_space<hbm>>) dst(%arg5 : memref<4000xi32, #tpu.memory_space<vmem>>)
        tpu.yield
      }) : () -> ()
      %mul3A_26 = arith.constant 160000 : i32
      %mul3A_27 = arith.muli %mul3A_2, %mul3A_26 : i32
      %add3A_28 = arith.addi %mul3A_27, %mul3A_23 : i32
      "tpu.region"() ({
        %run_scoped3A = tpu.sem_alloc : memref<!tpu.dma_semaphore, #tpu.memory_space<semaphore_mem>>
        %dma_start3A = tpu.memref_slice %arg2[%add3A_28] : memref<10240000xf32, #tpu.memory_space<hbm>> -> memref<8000xf32, #tpu.memory_space<hbm>>
        %dma_start3A_40 = tpu.memref_slice %arg2[%add3A_28] : memref<10240000xf32, #tpu.memory_space<hbm>> -> memref<8000xf32, #tpu.memory_space<hbm>>
        tpu.enqueue_dma source(%dma_start3A_40 : memref<8000xf32, #tpu.memory_space<hbm>>) target(%arg6 : memref<8000xf32, #tpu.memory_space<vmem>>) target_semaphore(%run_scoped3A : memref<!tpu.dma_semaphore, #tpu.memory_space<semaphore_mem>>)
        %dma_wait3A = tpu.memref_slice %arg2[%add3A_28] : memref<10240000xf32, #tpu.memory_space<hbm>> -> memref<8000xf32, #tpu.memory_space<hbm>>
        %dma_wait3A_41 = tpu.memref_slice %arg2[%add3A_28] : memref<10240000xf32, #tpu.memory_space<hbm>> -> memref<8000xf32, #tpu.memory_space<hbm>>
        tpu.wait_dma2 semaphore(%run_scoped3A : memref<!tpu.dma_semaphore, #tpu.memory_space<semaphore_mem>>) src(%dma_wait3A_41 : memref<8000xf32, #tpu.memory_space<hbm>>) dst(%arg6 : memref<8000xf32, #tpu.memory_space<vmem>>)
        tpu.yield
      }) : () -> ()
      %add3A_29 = arith.constant 1 : i32
      %add3A_30 = arith.addi %mul3A_2, %add3A_29 : i32
      %mul3A_31 = arith.constant 160000 : i32
      %mul3A_32 = arith.muli %add3A_30, %mul3A_31 : i32
      %add3A_33 = arith.addi %mul3A_32, %mul3A_23 : i32
      "tpu.region"() ({
        %run_scoped3A = tpu.sem_alloc : memref<!tpu.dma_semaphore, #tpu.memory_space<semaphore_mem>>
        %dma_start3A = tpu.memref_slice %arg2[%add3A_33] : memref<10240000xf32, #tpu.memory_space<hbm>> -> memref<8000xf32, #tpu.memory_space<hbm>>
        %dma_start3A_40 = tpu.memref_slice %arg2[%add3A_33] : memref<10240000xf32, #tpu.memory_space<hbm>> -> memref<8000xf32, #tpu.memory_space<hbm>>
        tpu.enqueue_dma source(%dma_start3A_40 : memref<8000xf32, #tpu.memory_space<hbm>>) target(%arg7 : memref<8000xf32, #tpu.memory_space<vmem>>) target_semaphore(%run_scoped3A : memref<!tpu.dma_semaphore, #tpu.memory_space<semaphore_mem>>)
        %dma_wait3A = tpu.memref_slice %arg2[%add3A_33] : memref<10240000xf32, #tpu.memory_space<hbm>> -> memref<8000xf32, #tpu.memory_space<hbm>>
        %dma_wait3A_41 = tpu.memref_slice %arg2[%add3A_33] : memref<10240000xf32, #tpu.memory_space<hbm>> -> memref<8000xf32, #tpu.memory_space<hbm>>
        tpu.wait_dma2 semaphore(%run_scoped3A : memref<!tpu.dma_semaphore, #tpu.memory_space<semaphore_mem>>) src(%dma_wait3A_41 : memref<8000xf32, #tpu.memory_space<hbm>>) dst(%arg7 : memref<8000xf32, #tpu.memory_space<vmem>>)
        tpu.yield
      }) : () -> ()
      %scan3A_34 = arith.constant 0 : i32
      %scan3A_35 = arith.constant 0 : i32
      %scan3A_36 = arith.constant 250 : i32
      %scan3A_37 = arith.addi %scan3A_35, %scan3A_36 : i32
      %scan3A_38 = arith.constant 1 : i32
      scf.for %scan3A_40 = %scan3A_35 to %scan3A_37 step %scan3A_38  : i32 {
        %mul3A_41 = arith.constant 16 : i32
        %mul3A_42 = arith.muli %scan3A_40, %mul3A_41 : i32
        %get3A = arith.index_cast %mul3A_42 : i32 to index
        %get3A_43 = tpu.vector_load %arg5[%get3A] {strides = array<i32>} : memref<4000xi32, #tpu.memory_space<vmem>>, vector<16xi32>,
        %and3A = arith.constant 65535 : i32
        %and3A_44 = vector.broadcast %and3A : i32 to vector<16xi32>
        %and3A_45 = arith.andi %get3A_43, %and3A_44 : vector<16xi32>
        %shift_right_arithmetic3A = arith.constant 16 : i32
        %shift_right_arithmetic3A_46 = vector.broadcast %shift_right_arithmetic3A : i32 to vector<16xi32>
        %shift_right_arithmetic3A_47 = arith.shrsi %get3A_43, %shift_right_arithmetic3A_46 : vector<16xi32>
        %mul3A_48 = arith.constant 16 : i32
        %mul3A_49 = arith.muli %scan3A_40, %mul3A_48 : i32
        %mul3A_50 = arith.constant 16 : i32
        %mul3A_51 = arith.muli %scan3A_40, %mul3A_50 : i32
        %add3A_52 = arith.constant 4000 : i32
        %add3A_53 = arith.addi %add3A_52, %mul3A_51 : i32
        %get3A_54 = arith.index_cast %mul3A_49 : i32 to index
        %get3A_55 = tpu.vector_load %arg6[%get3A_54] {strides = array<i32>} : memref<8000xf32, #tpu.memory_space<vmem>>, vector<16xf32>,
        tpu.vector_store_idx %arg8[%and3A_45], %get3A_55 {add = true} : memref<10000xf32, #tpu.memory_space<vmem>>[vector<16xi32>], vector<16xf32>,
        %get3A_56 = arith.index_cast %mul3A_49 : i32 to index
        %get3A_57 = tpu.vector_load %arg7[%get3A_56] {strides = array<i32>} : memref<8000xf32, #tpu.memory_space<vmem>>, vector<16xf32>,
        tpu.vector_store_idx %arg9[%and3A_45], %get3A_57 {add = true} : memref<10000xf32, #tpu.memory_space<vmem>>[vector<16xi32>], vector<16xf32>,
        %get3A_58 = arith.index_cast %add3A_53 : i32 to index
        %get3A_59 = tpu.vector_load %arg6[%get3A_58] {strides = array<i32>} : memref<8000xf32, #tpu.memory_space<vmem>>, vector<16xf32>,
        tpu.vector_store_idx %arg8[%shift_right_arithmetic3A_47], %get3A_59 {add = true} : memref<10000xf32, #tpu.memory_space<vmem>>[vector<16xi32>], vector<16xf32>,
        %get3A_60 = arith.index_cast %add3A_53 : i32 to index
        %get3A_61 = tpu.vector_load %arg7[%get3A_60] {strides = array<i32>} : memref<8000xf32, #tpu.memory_space<vmem>>, vector<16xf32>,
        tpu.vector_store_idx %arg9[%shift_right_arithmetic3A_47], %get3A_61 {add = true} : memref<10000xf32, #tpu.memory_space<vmem>>[vector<16xi32>], vector<16xf32>,
      }
      %scan3A_39 = arith.constant 250 : i32
    }
    %scan3A_14 = arith.constant 20 : i32
    %mul3A_15 = arith.constant 10000 : i32
    %mul3A_16 = arith.muli %mul3A_2, %mul3A_15 : i32
    "tpu.region"() ({
      %run_scoped3A = tpu.sem_alloc : memref<!tpu.dma_semaphore, #tpu.memory_space<semaphore_mem>>
      %dma_start3A = tpu.memref_slice %arg4[%mul3A_16] : memref<640000xf32, #tpu.memory_space<hbm>> -> memref<10000xf32, #tpu.memory_space<hbm>>
      %dma_start3A_21 = tpu.memref_slice %arg4[%mul3A_16] : memref<640000xf32, #tpu.memory_space<hbm>> -> memref<10000xf32, #tpu.memory_space<hbm>>
      tpu.enqueue_dma source(%arg8 : memref<10000xf32, #tpu.memory_space<vmem>>) target(%dma_start3A_21 : memref<10000xf32, #tpu.memory_space<hbm>>) target_semaphore(%run_scoped3A : memref<!tpu.dma_semaphore, #tpu.memory_space<semaphore_mem>>)
      %dma_wait3A = tpu.memref_slice %arg4[%mul3A_16] : memref<640000xf32, #tpu.memory_space<hbm>> -> memref<10000xf32, #tpu.memory_space<hbm>>
      %dma_wait3A_22 = tpu.memref_slice %arg4[%mul3A_16] : memref<640000xf32, #tpu.memory_space<hbm>> -> memref<10000xf32, #tpu.memory_space<hbm>>
      tpu.wait_dma2 semaphore(%run_scoped3A : memref<!tpu.dma_semaphore, #tpu.memory_space<semaphore_mem>>) src(%arg8 : memref<10000xf32, #tpu.memory_space<vmem>>) dst(%dma_wait3A_22 : memref<10000xf32, #tpu.memory_space<hbm>>)
      tpu.yield
    }) : () -> ()
    %add3A_17 = arith.constant 1 : i32
    %add3A_18 = arith.addi %mul3A_2, %add3A_17 : i32
    %mul3A_19 = arith.constant 10000 : i32
    %mul3A_20 = arith.muli %add3A_18, %mul3A_19 : i32
    "tpu.region"() ({
      %run_scoped3A = tpu.sem_alloc : memref<!tpu.dma_semaphore, #tpu.memory_space<semaphore_mem>>
      %dma_start3A = tpu.memref_slice %arg4[%mul3A_20] : memref<640000xf32, #tpu.memory_space<hbm>> -> memref<10000xf32, #tpu.memory_space<hbm>>
      %dma_start3A_21 = tpu.memref_slice %arg4[%mul3A_20] : memref<640000xf32, #tpu.memory_space<hbm>> -> memref<10000xf32, #tpu.memory_space<hbm>>
      tpu.enqueue_dma source(%arg9 : memref<10000xf32, #tpu.memory_space<vmem>>) target(%dma_start3A_21 : memref<10000xf32, #tpu.memory_space<hbm>>) target_semaphore(%run_scoped3A : memref<!tpu.dma_semaphore, #tpu.memory_space<semaphore_mem>>)
      %dma_wait3A = tpu.memref_slice %arg4[%mul3A_20] : memref<640000xf32, #tpu.memory_space<hbm>> -> memref<10000xf32, #tpu.memory_space<hbm>>
      %dma_wait3A_22 = tpu.memref_slice %arg4[%mul3A_20] : memref<640000xf32, #tpu.memory_space<hbm>> -> memref<10000xf32, #tpu.memory_space<hbm>>
      tpu.wait_dma2 semaphore(%run_scoped3A : memref<!tpu.dma_semaphore, #tpu.memory_space<semaphore_mem>>) src(%arg9 : memref<10000xf32, #tpu.memory_space<vmem>>) dst(%dma_wait3A_22 : memref<10000xf32, #tpu.memory_space<hbm>>)
      tpu.yield
    }) : () -> ()
    return
  }
}

module attributes {stable_mosaic.version = 14 : i64} {
  func.func @_ea0_body(%arg0: i32, %arg1: memref<3200x16xf32, #tpu.memory_space<vmem>>, %arg2: memref<16x32xf32, #tpu.memory_space<vmem>>, %arg3: memref<1x32xf32, #tpu.memory_space<vmem>>, %arg4: memref<3200x32xf32, #tpu.memory_space<vmem>>) attributes {dimension_semantics = [#tpu.dimension_semantics<arbitrary>], iteration_bounds = array<i64: 50>, scalar_prefetch = 0 : i64, scratch_operands = 0 : i64, tpu.core_type = #tpu.core_type<tc>, window_params = [{transform_indices = @transform_0, window_bounds = array<i64: 3200, 16>}, {pipeline_mode = #tpu.pipeline_mode<synchronous>, transform_indices = @transform_1, window_bounds = array<i64: 16, 32>}, {pipeline_mode = #tpu.pipeline_mode<synchronous>, transform_indices = @transform_2, window_bounds = array<i64: 1, 32>}, {transform_indices = @transform_3, window_bounds = array<i64: 3200, 32>}]} {
    %get3A = arith.constant 0 : index
    %get3A_0 = arith.constant 0 : index
    %get3A_1 = vector.load %arg1[%get3A, %get3A_0] : memref<3200x16xf32, #tpu.memory_space<vmem>>, vector<3200x16xf32>
    %get3A_2 = arith.constant 0 : index
    %get3A_3 = arith.constant 0 : index
    %get3A_4 = vector.load %arg2[%get3A_2, %get3A_3] : memref<16x32xf32, #tpu.memory_space<vmem>>, vector<16x32xf32>
    %dot_general3A = arith.constant dense<0.000000e+00> : vector<3200x32xf32>
    %dot_general3A_5 = tpu.matmul %get3A_1, %get3A_4, %dot_general3A {dimension_numbers = #tpu.dot_dimension_numbers<[1], [0], [0], [1], [0, 0, 1, 1], [], []>, transpose_lhs_hint = false} : vector<3200x16xf32>, vector<16x32xf32>, vector<3200x32xf32> -> vector<3200x32xf32>
    %get3A_6 = arith.constant 0 : index
    %get3A_7 = arith.constant 0 : index
    %get3A_8 = vector.load %arg3[%get3A_6, %get3A_7] : memref<1x32xf32, #tpu.memory_space<vmem>>, vector<1x32xf32>
    %add3A = vector.broadcast %get3A_8 : vector<1x32xf32> to vector<3200x32xf32>
    %add3A_9 = arith.addf %dot_general3A_5, %add3A : vector<3200x32xf32>
    %jit3A = arith.constant 0.00999999977 : f32
    %ge3A = arith.constant 0.000000e+00 : f32
    %ge3A_10 = vector.broadcast %ge3A : f32 to vector<3200x32xf32>
    %ge3A_11 = arith.cmpf oge, %add3A_9, %ge3A_10 : vector<3200x32xf32>
    %mul3A = vector.broadcast %jit3A : f32 to vector<3200x32xf32>
    %mul3A_12 = arith.mulf %mul3A, %add3A_9 : vector<3200x32xf32>
    %select_n3A = arith.select %ge3A_11, %add3A_9, %mul3A_12 : vector<3200x32xi1>, vector<3200x32xf32>
    %swap3A = arith.constant 0 : index
    %swap3A_13 = arith.constant 0 : index
    %swap3A_14 = vector.load %arg4[%swap3A, %swap3A_13] : memref<3200x32xf32, #tpu.memory_space<vmem>>, vector<3200x32xf32>
    tpu.vector_store %arg4[%swap3A, %swap3A_13], %select_n3A {strides = array<i32>} : memref<3200x32xf32, #tpu.memory_space<vmem>>, vector<3200x32xf32>,
    return
  }
  func.func @transform_0(%arg0: i32) -> (i32, i32) {
    %c0_i32 = arith.constant 0 : i32
    %c0_i32_0 = arith.constant 0 : i32
    return %arg0, %c0_i32 : i32, i32
  }
  func.func @transform_1(%arg0: i32) -> (i32, i32) {
    %c0_i32 = arith.constant 0 : i32
    %c0_i32_0 = arith.constant 0 : i32
    %c0_i32_1 = arith.constant 0 : i32
    return %c0_i32, %c0_i32_0 : i32, i32
  }
  func.func @transform_2(%arg0: i32) -> (i32, i32) {
    %c0_i32 = arith.constant 0 : i32
    %c0_i32_0 = arith.constant 0 : i32
    %c0_i32_1 = arith.constant 0 : i32
    return %c0_i32, %c0_i32_0 : i32, i32
  }
  func.func @transform_3(%arg0: i32) -> (i32, i32) {
    %c0_i32 = arith.constant 0 : i32
    %c0_i32_0 = arith.constant 0 : i32
    return %arg0, %c0_i32 : i32, i32
  }
}

module attributes {stable_mosaic.version = 14 : i64} {
  func.func @_embed_body(%arg0: memref<10000x128xf32, #tpu.memory_space<vmem>>, %arg1: memref<128x64xf32, #tpu.memory_space<vmem>>, %arg2: memref<1x64xf32, #tpu.memory_space<vmem>>, %arg3: memref<1x16xf32, #tpu.memory_space<vmem>>, %arg4: memref<16x32xf32, #tpu.memory_space<vmem>>, %arg5: memref<1x32xf32, #tpu.memory_space<vmem>>, %arg6: memref<64x64xf32, #tpu.memory_space<vmem>>, %arg7: memref<64x64xf32, #tpu.memory_space<vmem>>, %arg8: memref<32x64xf32, #tpu.memory_space<vmem>>, %arg9: memref<1x64xf32, #tpu.memory_space<vmem>>, %arg10: memref<64x64xf32, #tpu.memory_space<vmem>>, %arg11: memref<1x64xf32, #tpu.memory_space<vmem>>, %arg12: memref<10000x64xf32, #tpu.memory_space<vmem>>, %arg13: memref<1x32xf32, #tpu.memory_space<vmem>>, %arg14: memref<10000x128xf32, #tpu.memory_space<vmem>>, %arg15: memref<10000x128xf32, #tpu.memory_space<vmem>>) attributes {dimension_semantics = [], scalar_prefetch = 0 : i64, scratch_operands = 0 : i64, tpu.core_type = #tpu.core_type<tc>} {
    %get3A = arith.constant 0 : index
    %get3A_0 = arith.constant 0 : index
    %get3A_1 = vector.load %arg0[%get3A, %get3A_0] : memref<10000x128xf32, #tpu.memory_space<vmem>>, vector<10000x128xf32>
    %get3A_2 = arith.constant 0 : index
    %get3A_3 = arith.constant 0 : index
    %get3A_4 = vector.load %arg1[%get3A_2, %get3A_3] : memref<128x64xf32, #tpu.memory_space<vmem>>, vector<128x64xf32>
    %dot_general3A = arith.constant dense<0.000000e+00> : vector<10000x64xf32>
    %dot_general3A_5 = tpu.matmul %get3A_1, %get3A_4, %dot_general3A {dimension_numbers = #tpu.dot_dimension_numbers<[1], [0], [0], [1], [0, 0, 1, 1], [], []>, transpose_lhs_hint = false} : vector<10000x128xf32>, vector<128x64xf32>, vector<10000x64xf32> -> vector<10000x64xf32>
    %get3A_6 = arith.constant 0 : index
    %get3A_7 = arith.constant 0 : index
    %get3A_8 = vector.load %arg2[%get3A_6, %get3A_7] : memref<1x64xf32, #tpu.memory_space<vmem>>, vector<1x64xf32>
    %add3A = vector.broadcast %get3A_8 : vector<1x64xf32> to vector<10000x64xf32>
    %add3A_9 = arith.addf %dot_general3A_5, %add3A : vector<10000x64xf32>
    %jit3A = arith.constant 0.00999999977 : f32
    %ge3A = arith.constant 0.000000e+00 : f32
    %ge3A_10 = vector.broadcast %ge3A : f32 to vector<10000x64xf32>
    %ge3A_11 = arith.cmpf oge, %add3A_9, %ge3A_10 : vector<10000x64xf32>
    %mul3A = vector.broadcast %jit3A : f32 to vector<10000x64xf32>
    %mul3A_12 = arith.mulf %mul3A, %add3A_9 : vector<10000x64xf32>
    %select_n3A = arith.select %ge3A_11, %add3A_9, %mul3A_12 : vector<10000x64xi1>, vector<10000x64xf32>
    %get3A_13 = arith.constant 0 : index
    %get3A_14 = arith.constant 0 : index
    %get3A_15 = vector.load %arg3[%get3A_13, %get3A_14] : memref<1x16xf32, #tpu.memory_space<vmem>>, vector<1x16xf32>
    %get3A_16 = arith.constant 0 : index
    %get3A_17 = arith.constant 0 : index
    %get3A_18 = vector.load %arg4[%get3A_16, %get3A_17] : memref<16x32xf32, #tpu.memory_space<vmem>>, vector<16x32xf32>
    %dot_general3A_19 = arith.constant dense<0.000000e+00> : vector<1x32xf32>
    %dot_general3A_20 = tpu.matmul %get3A_15, %get3A_18, %dot_general3A_19 {dimension_numbers = #tpu.dot_dimension_numbers<[1], [0], [0], [1], [0, 0, 1, 1], [], []>, transpose_lhs_hint = false} : vector<1x16xf32>, vector<16x32xf32>, vector<1x32xf32> -> vector<1x32xf32>
    %get3A_21 = arith.constant 0 : index
    %get3A_22 = arith.constant 0 : index
    %get3A_23 = vector.load %arg5[%get3A_21, %get3A_22] : memref<1x32xf32, #tpu.memory_space<vmem>>, vector<1x32xf32>
    %add3A_24 = arith.addf %dot_general3A_20, %get3A_23 : vector<1x32xf32>
    %jit3A_25 = arith.constant 0.00999999977 : f32
    %ge3A_26 = arith.constant 0.000000e+00 : f32
    %ge3A_27 = vector.broadcast %ge3A_26 : f32 to vector<1x32xf32>
    %ge3A_28 = arith.cmpf oge, %add3A_24, %ge3A_27 : vector<1x32xf32>
    %mul3A_29 = vector.broadcast %jit3A_25 : f32 to vector<1x32xf32>
    %mul3A_30 = arith.mulf %mul3A_29, %add3A_24 : vector<1x32xf32>
    %select_n3A_31 = arith.select %ge3A_28, %add3A_24, %mul3A_30 : vector<1x32xi1>, vector<1x32xf32>
    %swap3A = arith.constant 0 : index
    %swap3A_32 = arith.constant 0 : index
    %swap3A_33 = vector.load %arg12[%swap3A, %swap3A_32] : memref<10000x64xf32, #tpu.memory_space<vmem>>, vector<10000x64xf32>
    tpu.vector_store %arg12[%swap3A, %swap3A_32], %select_n3A {strides = array<i32>} : memref<10000x64xf32, #tpu.memory_space<vmem>>, vector<10000x64xf32>,
    %swap3A_34 = arith.constant 0 : index
    %swap3A_35 = arith.constant 0 : index
    %swap3A_36 = vector.load %arg13[%swap3A_34, %swap3A_35] : memref<1x32xf32, #tpu.memory_space<vmem>>, vector<1x32xf32>
    tpu.vector_store %arg13[%swap3A_34, %swap3A_35], %select_n3A_31 {strides = array<i32>} : memref<1x32xf32, #tpu.memory_space<vmem>>, vector<1x32xf32>,
    %get3A_37 = arith.constant 0 : index
    %get3A_38 = arith.constant 0 : index
    %get3A_39 = vector.load %arg8[%get3A_37, %get3A_38] : memref<32x64xf32, #tpu.memory_space<vmem>>, vector<32x64xf32>
    %dot_general3A_40 = arith.constant dense<0.000000e+00> : vector<1x64xf32>
    %dot_general3A_41 = tpu.matmul %select_n3A_31, %get3A_39, %dot_general3A_40 {dimension_numbers = #tpu.dot_dimension_numbers<[1], [0], [0], [1], [0, 0, 1, 1], [], []>, transpose_lhs_hint = false} : vector<1x32xf32>, vector<32x64xf32>, vector<1x64xf32> -> vector<1x64xf32>
    %get3A_42 = arith.constant 0 : index
    %get3A_43 = arith.constant 0 : index
    %get3A_44 = vector.load %arg9[%get3A_42, %get3A_43] : memref<1x64xf32, #tpu.memory_space<vmem>>, vector<1x64xf32>
    %add3A_45 = arith.addf %dot_general3A_41, %get3A_44 : vector<1x64xf32>
    %get3A_46 = arith.constant 0 : index
    %get3A_47 = arith.constant 0 : index
    %get3A_48 = vector.load %arg6[%get3A_46, %get3A_47] : memref<64x64xf32, #tpu.memory_space<vmem>>, vector<64x64xf32>
    %dot_general3A_49 = arith.constant dense<0.000000e+00> : vector<10000x64xf32>
    %dot_general3A_50 = tpu.matmul %select_n3A, %get3A_48, %dot_general3A_49 {dimension_numbers = #tpu.dot_dimension_numbers<[1], [0], [0], [1], [0, 0, 1, 1], [], []>, transpose_lhs_hint = false} : vector<10000x64xf32>, vector<64x64xf32>, vector<10000x64xf32> -> vector<10000x64xf32>
    %add3A_51 = vector.broadcast %add3A_45 : vector<1x64xf32> to vector<10000x64xf32>
    %add3A_52 = arith.addf %dot_general3A_50, %add3A_51 : vector<10000x64xf32>
    %get3A_53 = arith.constant 0 : index
    %get3A_54 = arith.constant 0 : index
    %get3A_55 = vector.load %arg10[%get3A_53, %get3A_54] : memref<64x64xf32, #tpu.memory_space<vmem>>, vector<64x64xf32>
    %dot_general3A_56 = arith.constant dense<0.000000e+00> : vector<10000x64xf32>
    %dot_general3A_57 = tpu.matmul %select_n3A, %get3A_55, %dot_general3A_56 {dimension_numbers = #tpu.dot_dimension_numbers<[1], [0], [0], [1], [0, 0, 1, 1], [], []>, transpose_lhs_hint = false} : vector<10000x64xf32>, vector<64x64xf32>, vector<10000x64xf32> -> vector<10000x64xf32>
    %get3A_58 = arith.constant 0 : index
    %get3A_59 = arith.constant 0 : index
    %get3A_60 = vector.load %arg11[%get3A_58, %get3A_59] : memref<1x64xf32, #tpu.memory_space<vmem>>, vector<1x64xf32>
    %add3A_61 = vector.broadcast %get3A_60 : vector<1x64xf32> to vector<10000x64xf32>
    %add3A_62 = arith.addf %dot_general3A_57, %add3A_61 : vector<10000x64xf32>
    %concatenate3A = tpu.concatenate %add3A_52, %add3A_62 in 1 : vector<10000x64xf32>, vector<10000x64xf32> -> vector<10000x128xf32>
    %swap3A_63 = arith.constant 0 : index
    %swap3A_64 = arith.constant 0 : index
    %swap3A_65 = vector.load %arg14[%swap3A_63, %swap3A_64] : memref<10000x128xf32, #tpu.memory_space<vmem>>, vector<10000x128xf32>
    tpu.vector_store %arg14[%swap3A_63, %swap3A_64], %concatenate3A {strides = array<i32>} : memref<10000x128xf32, #tpu.memory_space<vmem>>, vector<10000x128xf32>,
    %get3A_66 = arith.constant 0 : index
    %get3A_67 = arith.constant 0 : index
    %get3A_68 = vector.load %arg7[%get3A_66, %get3A_67] : memref<64x64xf32, #tpu.memory_space<vmem>>, vector<64x64xf32>
    %dot_general3A_69 = arith.constant dense<0.000000e+00> : vector<10000x64xf32>
    %dot_general3A_70 = tpu.matmul %select_n3A, %get3A_68, %dot_general3A_69 {dimension_numbers = #tpu.dot_dimension_numbers<[1], [0], [0], [1], [0, 0, 1, 1], [], []>, transpose_lhs_hint = false} : vector<10000x64xf32>, vector<64x64xf32>, vector<10000x64xf32> -> vector<10000x64xf32>
    %broadcast_in_dim3A = arith.constant 0.000000e+00 : f32
    %broadcast_in_dim3A_71 = vector.broadcast %broadcast_in_dim3A : f32 to vector<10000x64xf32>
    %concatenate3A_72 = tpu.concatenate %dot_general3A_70, %broadcast_in_dim3A_71 in 1 : vector<10000x64xf32>, vector<10000x64xf32> -> vector<10000x128xf32>
    %swap3A_73 = arith.constant 0 : index
    %swap3A_74 = arith.constant 0 : index
    %swap3A_75 = vector.load %arg15[%swap3A_73, %swap3A_74] : memref<10000x128xf32, #tpu.memory_space<vmem>>, vector<10000x128xf32>
    tpu.vector_store %arg15[%swap3A_73, %swap3A_74], %concatenate3A_72 {strides = array<i32>} : memref<10000x128xf32, #tpu.memory_space<vmem>>, vector<10000x128xf32>,
    return
  }
}

module attributes {stable_mosaic.version = 14 : i64} {
  func.func @_cntsum_body(%arg0: memref<32x10000xf32, #tpu.memory_space<vmem>>, %arg1: memref<1x10000xf32, #tpu.memory_space<vmem>>) attributes {dimension_semantics = [], scalar_prefetch = 0 : i64, scratch_operands = 0 : i64, tpu.core_type = #tpu.core_type<tc>} {
    %get3A = arith.constant 0 : index
    %get3A_0 = arith.constant 0 : index
    %get3A_1 = vector.load %arg0[%get3A, %get3A_0] : memref<32x10000xf32, #tpu.memory_space<vmem>>, vector<32x10000xf32>
    %reduce_sum3A = arith.constant dense<0.000000e+00> : vector<10000xf32>
    %reduce_sum3A_2 = vector.multi_reduction <add>, %get3A_1, %reduce_sum3A [0] : vector<32x10000xf32> to vector<10000xf32>
    %broadcast_in_dim3A = vector.shape_cast %reduce_sum3A_2 : vector<10000xf32> to vector<1x10000xf32>
    %swap3A = arith.constant 0 : index
    %swap3A_3 = arith.constant 0 : index
    %swap3A_4 = vector.load %arg1[%swap3A, %swap3A_3] : memref<1x10000xf32, #tpu.memory_space<vmem>>, vector<1x10000xf32>
    tpu.vector_store %arg1[%swap3A, %swap3A_3], %broadcast_in_dim3A {strides = array<i32>} : memref<1x10000xf32, #tpu.memory_space<vmem>>, vector<1x10000xf32>,
    return
  }
}

module attributes {stable_mosaic.version = 14 : i64} {
  func.func @_edge_body(%arg0: i32, %arg1: memref<3200x32xf32, #tpu.memory_space<vmem>>, %arg2: memref<3200x128xf32, #tpu.memory_space<vmem>>, %arg3: memref<3200x128xf32, #tpu.memory_space<vmem>>, %arg4: memref<32x64xf32, #tpu.memory_space<vmem>>, %arg5: memref<64x32xf32, #tpu.memory_space<vmem>>, %arg6: memref<1x32xf32, #tpu.memory_space<vmem>>, %arg7: memref<32x64xf32, #tpu.memory_space<vmem>>, %arg8: memref<3200x32xf32, #tpu.memory_space<vmem>>, %arg9: memref<64x3200xf32, #tpu.memory_space<vmem>>) attributes {dimension_semantics = [#tpu.dimension_semantics<arbitrary>], iteration_bounds = array<i64: 50>, scalar_prefetch = 0 : i64, scratch_operands = 0 : i64, tpu.core_type = #tpu.core_type<tc>, window_params = [{transform_indices = @transform_0, window_bounds = array<i64: 3200, 32>}, {transform_indices = @transform_1, window_bounds = array<i64: 3200, 128>}, {transform_indices = @transform_2, window_bounds = array<i64: 3200, 128>}, {pipeline_mode = #tpu.pipeline_mode<synchronous>, transform_indices = @transform_3, window_bounds = array<i64: 32, 64>}, {pipeline_mode = #tpu.pipeline_mode<synchronous>, transform_indices = @transform_4, window_bounds = array<i64: 64, 32>}, {pipeline_mode = #tpu.pipeline_mode<synchronous>, transform_indices = @transform_5, window_bounds = array<i64: 1, 32>}, {pipeline_mode = #tpu.pipeline_mode<synchronous>, transform_indices = @transform_6, window_bounds = array<i64: 32, 64>}, {transform_indices = @transform_7, window_bounds = array<i64: 3200, 32>}, {transform_indices = @transform_8, window_bounds = array<i64: 64, 3200>}]} {
    %get3A = arith.constant 0 : index
    %get3A_0 = arith.constant 0 : index
    %get3A_1 = vector.load %arg1[%get3A, %get3A_0] : memref<3200x32xf32, #tpu.memory_space<vmem>>, vector<3200x32xf32>
    %get3A_2 = arith.constant 0 : index
    %get3A_3 = arith.constant 0 : index
    %get3A_4 = vector.load %arg2[%get3A_2, %get3A_3] : memref<3200x128xf32, #tpu.memory_space<vmem>>, vector<3200x128xf32>
    %slice3A = vector.extract_strided_slice %get3A_4 {offsets = [0, 0], sizes = [3200, 64], strides = [1, 1]} : vector<3200x128xf32> to vector<3200x64xf32>
    %get3A_5 = arith.constant 0 : index
    %get3A_6 = arith.constant 0 : index
    %get3A_7 = vector.load %arg3[%get3A_5, %get3A_6] : memref<3200x128xf32, #tpu.memory_space<vmem>>, vector<3200x128xf32>
    %slice3A_8 = vector.extract_strided_slice %get3A_7 {offsets = [0, 0], sizes = [3200, 64], strides = [1, 1]} : vector<3200x128xf32> to vector<3200x64xf32>
    %add3A = arith.addf %slice3A, %slice3A_8 : vector<3200x64xf32>
    %get3A_9 = arith.constant 0 : index
    %get3A_10 = arith.constant 0 : index
    %get3A_11 = vector.load %arg4[%get3A_9, %get3A_10] : memref<32x64xf32, #tpu.memory_space<vmem>>, vector<32x64xf32>
    %dot_general3A = arith.constant dense<0.000000e+00> : vector<3200x64xf32>
    %dot_general3A_12 = tpu.matmul %get3A_1, %get3A_11, %dot_general3A {dimension_numbers = #tpu.dot_dimension_numbers<[1], [0], [0], [1], [0, 0, 1, 1], [], []>, transpose_lhs_hint = false} : vector<3200x32xf32>, vector<32x64xf32>, vector<3200x64xf32> -> vector<3200x64xf32>
    %add3A_13 = arith.addf %add3A, %dot_general3A_12 : vector<3200x64xf32>
    %jit3A = arith.constant 0.00999999977 : f32
    %ge3A = arith.constant 0.000000e+00 : f32
    %ge3A_14 = vector.broadcast %ge3A : f32 to vector<3200x64xf32>
    %ge3A_15 = arith.cmpf oge, %add3A_13, %ge3A_14 : vector<3200x64xf32>
    %mul3A = vector.broadcast %jit3A : f32 to vector<3200x64xf32>
    %mul3A_16 = arith.mulf %mul3A, %add3A_13 : vector<3200x64xf32>
    %select_n3A = arith.select %ge3A_15, %add3A_13, %mul3A_16 : vector<3200x64xi1>, vector<3200x64xf32>
    %get3A_17 = arith.constant 0 : index
    %get3A_18 = arith.constant 0 : index
    %get3A_19 = vector.load %arg5[%get3A_17, %get3A_18] : memref<64x32xf32, #tpu.memory_space<vmem>>, vector<64x32xf32>
    %dot_general3A_20 = arith.constant dense<0.000000e+00> : vector<3200x32xf32>
    %dot_general3A_21 = tpu.matmul %select_n3A, %get3A_19, %dot_general3A_20 {dimension_numbers = #tpu.dot_dimension_numbers<[1], [0], [0], [1], [0, 0, 1, 1], [], []>, transpose_lhs_hint = false} : vector<3200x64xf32>, vector<64x32xf32>, vector<3200x32xf32> -> vector<3200x32xf32>
    %get3A_22 = arith.constant 0 : index
    %get3A_23 = arith.constant 0 : index
    %get3A_24 = vector.load %arg6[%get3A_22, %get3A_23] : memref<1x32xf32, #tpu.memory_space<vmem>>, vector<1x32xf32>
    %add3A_25 = vector.broadcast %get3A_24 : vector<1x32xf32> to vector<3200x32xf32>
    %add3A_26 = arith.addf %dot_general3A_21, %add3A_25 : vector<3200x32xf32>
    %add3A_27 = arith.addf %get3A_1, %add3A_26 : vector<3200x32xf32>
    %swap3A = arith.constant 0 : index
    %swap3A_28 = arith.constant 0 : index
    %swap3A_29 = vector.load %arg8[%swap3A, %swap3A_28] : memref<3200x32xf32, #tpu.memory_space<vmem>>, vector<3200x32xf32>
    tpu.vector_store %arg8[%swap3A, %swap3A_28], %add3A_27 {strides = array<i32>} : memref<3200x32xf32, #tpu.memory_space<vmem>>, vector<3200x32xf32>,
    %slice3A_30 = vector.extract_strided_slice %get3A_4 {offsets = [0, 64], sizes = [3200, 64], strides = [1, 1]} : vector<3200x128xf32> to vector<3200x64xf32>
    %get3A_31 = arith.constant 0 : index
    %get3A_32 = arith.constant 0 : index
    %get3A_33 = vector.load %arg7[%get3A_31, %get3A_32] : memref<32x64xf32, #tpu.memory_space<vmem>>, vector<32x64xf32>
    %dot_general3A_34 = arith.constant dense<0.000000e+00> : vector<3200x64xf32>
    %dot_general3A_35 = tpu.matmul %add3A_26, %get3A_33, %dot_general3A_34 {dimension_numbers = #tpu.dot_dimension_numbers<[1], [0], [0], [1], [0, 0, 1, 1], [], []>, transpose_lhs_hint = false} : vector<3200x32xf32>, vector<32x64xf32>, vector<3200x64xf32> -> vector<3200x64xf32>
    %add3A_36 = arith.addf %slice3A_30, %dot_general3A_35 : vector<3200x64xf32>
    %jit3A_37 = arith.constant 0.00999999977 : f32
    %ge3A_38 = arith.constant 0.000000e+00 : f32
    %ge3A_39 = vector.broadcast %ge3A_38 : f32 to vector<3200x64xf32>
    %ge3A_40 = arith.cmpf oge, %add3A_36, %ge3A_39 : vector<3200x64xf32>
    %mul3A_41 = vector.broadcast %jit3A_37 : f32 to vector<3200x64xf32>
    %mul3A_42 = arith.mulf %mul3A_41, %add3A_36 : vector<3200x64xf32>
    %select_n3A_43 = arith.select %ge3A_40, %add3A_36, %mul3A_42 : vector<3200x64xi1>, vector<3200x64xf32>
    %transpose3A = tpu.transpose %select_n3A_43, [1, 0] : vector<3200x64xf32> -> vector<64x3200xf32>
    %swap3A_44 = arith.constant 0 : index
    %swap3A_45 = arith.constant 0 : index
    %swap3A_46 = vector.load %arg9[%swap3A_44, %swap3A_45] : memref<64x3200xf32, #tpu.memory_space<vmem>>, vector<64x3200xf32>
    tpu.vector_store %arg9[%swap3A_44, %swap3A_45], %transpose3A {strides = array<i32>} : memref<64x3200xf32, #tpu.memory_space<vmem>>, vector<64x3200xf32>,
    return
  }
  func.func @transform_0(%arg0: i32) -> (i32, i32) {
    %c0_i32 = arith.constant 0 : i32
    %c0_i32_0 = arith.constant 0 : i32
    return %arg0, %c0_i32 : i32, i32
  }
  func.func @transform_1(%arg0: i32) -> (i32, i32) {
    %c0_i32 = arith.constant 0 : i32
    %c0_i32_0 = arith.constant 0 : i32
    return %arg0, %c0_i32 : i32, i32
  }
  func.func @transform_2(%arg0: i32) -> (i32, i32) {
    %c0_i32 = arith.constant 0 : i32
    %c0_i32_0 = arith.constant 0 : i32
    return %arg0, %c0_i32 : i32, i32
  }
  func.func @transform_3(%arg0: i32) -> (i32, i32) {
    %c0_i32 = arith.constant 0 : i32
    %c0_i32_0 = arith.constant 0 : i32
    %c0_i32_1 = arith.constant 0 : i32
    return %c0_i32, %c0_i32_0 : i32, i32
  }
  func.func @transform_4(%arg0: i32) -> (i32, i32) {
    %c0_i32 = arith.constant 0 : i32
    %c0_i32_0 = arith.constant 0 : i32
    %c0_i32_1 = arith.constant 0 : i32
    return %c0_i32, %c0_i32_0 : i32, i32
  }
  func.func @transform_5(%arg0: i32) -> (i32, i32) {
    %c0_i32 = arith.constant 0 : i32
    %c0_i32_0 = arith.constant 0 : i32
    %c0_i32_1 = arith.constant 0 : i32
    return %c0_i32, %c0_i32_0 : i32, i32
  }
  func.func @transform_6(%arg0: i32) -> (i32, i32) {
    %c0_i32 = arith.constant 0 : i32
    %c0_i32_0 = arith.constant 0 : i32
    %c0_i32_1 = arith.constant 0 : i32
    return %c0_i32, %c0_i32_0 : i32, i32
  }
  func.func @transform_7(%arg0: i32) -> (i32, i32) {
    %c0_i32 = arith.constant 0 : i32
    %c0_i32_0 = arith.constant 0 : i32
    return %arg0, %c0_i32 : i32, i32
  }
  func.func @transform_8(%arg0: i32) -> (i32, i32) {
    %c0_i32 = arith.constant 0 : i32
    %c0_i32_0 = arith.constant 0 : i32
    return %c0_i32, %arg0 : i32, i32
  }
}

module attributes {stable_mosaic.version = 14 : i64} {
  func.func @_node_body(%arg0: memref<10000x64xf32, #tpu.memory_space<vmem>>, %arg1: memref<64x10000xf32, #tpu.memory_space<vmem>>, %arg2: memref<64x10000xf32, #tpu.memory_space<vmem>>, %arg3: memref<1x10000xf32, #tpu.memory_space<vmem>>, %arg4: memref<1x32xf32, #tpu.memory_space<vmem>>, %arg5: memref<160x64xf32, #tpu.memory_space<vmem>>, %arg6: memref<1x64xf32, #tpu.memory_space<vmem>>, %arg7: memref<64x64xf32, #tpu.memory_space<vmem>>, %arg8: memref<1x64xf32, #tpu.memory_space<vmem>>, %arg9: memref<96x32xf32, #tpu.memory_space<vmem>>, %arg10: memref<1x32xf32, #tpu.memory_space<vmem>>, %arg11: memref<32x32xf32, #tpu.memory_space<vmem>>, %arg12: memref<1x32xf32, #tpu.memory_space<vmem>>, %arg13: memref<64x64xf32, #tpu.memory_space<vmem>>, %arg14: memref<64x64xf32, #tpu.memory_space<vmem>>, %arg15: memref<32x64xf32, #tpu.memory_space<vmem>>, %arg16: memref<1x64xf32, #tpu.memory_space<vmem>>, %arg17: memref<64x64xf32, #tpu.memory_space<vmem>>, %arg18: memref<1x64xf32, #tpu.memory_space<vmem>>, %arg19: memref<10000x64xf32, #tpu.memory_space<vmem>>, %arg20: memref<1x32xf32, #tpu.memory_space<vmem>>, %arg21: memref<10000x128xf32, #tpu.memory_space<vmem>>, %arg22: memref<10000x128xf32, #tpu.memory_space<vmem>>) attributes {dimension_semantics = [], scalar_prefetch = 0 : i64, scratch_operands = 0 : i64, tpu.core_type = #tpu.core_type<tc>} {
    %get3A = arith.constant 0 : index
    %get3A_0 = arith.constant 0 : index
    %get3A_1 = vector.load %arg0[%get3A, %get3A_0] : memref<10000x64xf32, #tpu.memory_space<vmem>>, vector<10000x64xf32>
    %get3A_2 = arith.constant 0 : index
    %get3A_3 = arith.constant 0 : index
    %get3A_4 = vector.load %arg1[%get3A_2, %get3A_3] : memref<64x10000xf32, #tpu.memory_space<vmem>>, vector<64x10000xf32>
    %get3A_5 = arith.constant 0 : index
    %get3A_6 = arith.constant 0 : index
    %get3A_7 = vector.load %arg2[%get3A_5, %get3A_6] : memref<64x10000xf32, #tpu.memory_space<vmem>>, vector<64x10000xf32>
    %add3A = arith.addf %get3A_4, %get3A_7 : vector<64x10000xf32>
    %get3A_8 = arith.constant 0 : index
    %get3A_9 = arith.constant 0 : index
    %get3A_10 = vector.load %arg3[%get3A_8, %get3A_9] : memref<1x10000xf32, #tpu.memory_space<vmem>>, vector<1x10000xf32>
    %max3A = arith.constant 1.000000e+00 : f32
    %max3A_11 = vector.broadcast %max3A : f32 to vector<1x10000xf32>
    %max3A_12 = arith.maximumf %get3A_10, %max3A_11 : vector<1x10000xf32>
    %div3A = vector.broadcast %max3A_12 : vector<1x10000xf32> to vector<64x10000xf32>
    %div3A_13 = arith.divf %add3A, %div3A : vector<64x10000xf32>
    %transpose3A = tpu.transpose %div3A_13, [1, 0] : vector<64x10000xf32> -> vector<10000x64xf32>
    %get3A_14 = arith.constant 0 : index
    %get3A_15 = arith.constant 0 : index
    %get3A_16 = vector.load %arg4[%get3A_14, %get3A_15] : memref<1x32xf32, #tpu.memory_space<vmem>>, vector<1x32xf32>
    %broadcast_in_dim3A = vector.shape_cast %get3A_16 : vector<1x32xf32> to vector<1x32xf32>
    %broadcast_in_dim3A_17 = vector.broadcast %broadcast_in_dim3A : vector<1x32xf32> to vector<10000x32xf32>
    %concatenate3A = tpu.concatenate %get3A_1, %transpose3A, %broadcast_in_dim3A_17 in 1 : vector<10000x64xf32>, vector<10000x64xf32>, vector<10000x32xf32> -> vector<10000x160xf32>
    %get3A_18 = arith.constant 0 : index
    %get3A_19 = arith.constant 0 : index
    %get3A_20 = vector.load %arg5[%get3A_18, %get3A_19] : memref<160x64xf32, #tpu.memory_space<vmem>>, vector<160x64xf32>
    %dot_general3A = arith.constant dense<0.000000e+00> : vector<10000x64xf32>
    %dot_general3A_21 = tpu.matmul %concatenate3A, %get3A_20, %dot_general3A {dimension_numbers = #tpu.dot_dimension_numbers<[1], [0], [0], [1], [0, 0, 1, 1], [], []>, transpose_lhs_hint = false} : vector<10000x160xf32>, vector<160x64xf32>, vector<10000x64xf32> -> vector<10000x64xf32>
    %get3A_22 = arith.constant 0 : index
    %get3A_23 = arith.constant 0 : index
    %get3A_24 = vector.load %arg6[%get3A_22, %get3A_23] : memref<1x64xf32, #tpu.memory_space<vmem>>, vector<1x64xf32>
    %add3A_25 = vector.broadcast %get3A_24 : vector<1x64xf32> to vector<10000x64xf32>
    %add3A_26 = arith.addf %dot_general3A_21, %add3A_25 : vector<10000x64xf32>
    %jit3A = arith.constant 0.00999999977 : f32
    %ge3A = arith.constant 0.000000e+00 : f32
    %ge3A_27 = vector.broadcast %ge3A : f32 to vector<10000x64xf32>
    %ge3A_28 = arith.cmpf oge, %add3A_26, %ge3A_27 : vector<10000x64xf32>
    %mul3A = vector.broadcast %jit3A : f32 to vector<10000x64xf32>
    %mul3A_29 = arith.mulf %mul3A, %add3A_26 : vector<10000x64xf32>
    %select_n3A = arith.select %ge3A_28, %add3A_26, %mul3A_29 : vector<10000x64xi1>, vector<10000x64xf32>
    %get3A_30 = arith.constant 0 : index
    %get3A_31 = arith.constant 0 : index
    %get3A_32 = vector.load %arg7[%get3A_30, %get3A_31] : memref<64x64xf32, #tpu.memory_space<vmem>>, vector<64x64xf32>
    %dot_general3A_33 = arith.constant dense<0.000000e+00> : vector<10000x64xf32>
    %dot_general3A_34 = tpu.matmul %select_n3A, %get3A_32, %dot_general3A_33 {dimension_numbers = #tpu.dot_dimension_numbers<[1], [0], [0], [1], [0, 0, 1, 1], [], []>, transpose_lhs_hint = false} : vector<10000x64xf32>, vector<64x64xf32>, vector<10000x64xf32> -> vector<10000x64xf32>
    %get3A_35 = arith.constant 0 : index
    %get3A_36 = arith.constant 0 : index
    %get3A_37 = vector.load %arg8[%get3A_35, %get3A_36] : memref<1x64xf32, #tpu.memory_space<vmem>>, vector<1x64xf32>
    %add3A_38 = vector.broadcast %get3A_37 : vector<1x64xf32> to vector<10000x64xf32>
    %add3A_39 = arith.addf %dot_general3A_34, %add3A_38 : vector<10000x64xf32>
    %reduce_sum3A = arith.constant dense<0.000000e+00> : vector<64xf32>
    %reduce_sum3A_40 = vector.multi_reduction <add>, %get3A_1, %reduce_sum3A [0] : vector<10000x64xf32> to vector<64xf32>
    %broadcast_in_dim3A_41 = vector.shape_cast %reduce_sum3A_40 : vector<64xf32> to vector<1x64xf32>
    %div3A_42 = arith.constant 1.000000e+04 : f32
    %div3A_43 = vector.broadcast %div3A_42 : f32 to vector<1x64xf32>
    %div3A_44 = arith.divf %broadcast_in_dim3A_41, %div3A_43 : vector<1x64xf32>
    %concatenate3A_45 = tpu.concatenate %get3A_16, %div3A_44 in 1 : vector<1x32xf32>, vector<1x64xf32> -> vector<1x96xf32>
    %get3A_46 = arith.constant 0 : index
    %get3A_47 = arith.constant 0 : index
    %get3A_48 = vector.load %arg9[%get3A_46, %get3A_47] : memref<96x32xf32, #tpu.memory_space<vmem>>, vector<96x32xf32>
    %dot_general3A_49 = arith.constant dense<0.000000e+00> : vector<1x32xf32>
    %dot_general3A_50 = tpu.matmul %concatenate3A_45, %get3A_48, %dot_general3A_49 {dimension_numbers = #tpu.dot_dimension_numbers<[1], [0], [0], [1], [0, 0, 1, 1], [], []>, transpose_lhs_hint = false} : vector<1x96xf32>, vector<96x32xf32>, vector<1x32xf32> -> vector<1x32xf32>
    %get3A_51 = arith.constant 0 : index
    %get3A_52 = arith.constant 0 : index
    %get3A_53 = vector.load %arg10[%get3A_51, %get3A_52] : memref<1x32xf32, #tpu.memory_space<vmem>>, vector<1x32xf32>
    %add3A_54 = arith.addf %dot_general3A_50, %get3A_53 : vector<1x32xf32>
    %jit3A_55 = arith.constant 0.00999999977 : f32
    %ge3A_56 = arith.constant 0.000000e+00 : f32
    %ge3A_57 = vector.broadcast %ge3A_56 : f32 to vector<1x32xf32>
    %ge3A_58 = arith.cmpf oge, %add3A_54, %ge3A_57 : vector<1x32xf32>
    %mul3A_59 = vector.broadcast %jit3A_55 : f32 to vector<1x32xf32>
    %mul3A_60 = arith.mulf %mul3A_59, %add3A_54 : vector<1x32xf32>
    %select_n3A_61 = arith.select %ge3A_58, %add3A_54, %mul3A_60 : vector<1x32xi1>, vector<1x32xf32>
    %get3A_62 = arith.constant 0 : index
    %get3A_63 = arith.constant 0 : index
    %get3A_64 = vector.load %arg11[%get3A_62, %get3A_63] : memref<32x32xf32, #tpu.memory_space<vmem>>, vector<32x32xf32>
    %dot_general3A_65 = arith.constant dense<0.000000e+00> : vector<1x32xf32>
    %dot_general3A_66 = tpu.matmul %select_n3A_61, %get3A_64, %dot_general3A_65 {dimension_numbers = #tpu.dot_dimension_numbers<[1], [0], [0], [1], [0, 0, 1, 1], [], []>, transpose_lhs_hint = false} : vector<1x32xf32>, vector<32x32xf32>, vector<1x32xf32> -> vector<1x32xf32>
    %get3A_67 = arith.constant 0 : index
    %get3A_68 = arith.constant 0 : index
    %get3A_69 = vector.load %arg12[%get3A_67, %get3A_68] : memref<1x32xf32, #tpu.memory_space<vmem>>, vector<1x32xf32>
    %add3A_70 = arith.addf %dot_general3A_66, %get3A_69 : vector<1x32xf32>
    %add3A_71 = arith.addf %get3A_1, %add3A_39 : vector<10000x64xf32>
    %add3A_72 = arith.addf %get3A_16, %add3A_70 : vector<1x32xf32>
    %swap3A = arith.constant 0 : index
    %swap3A_73 = arith.constant 0 : index
    %swap3A_74 = vector.load %arg19[%swap3A, %swap3A_73] : memref<10000x64xf32, #tpu.memory_space<vmem>>, vector<10000x64xf32>
    tpu.vector_store %arg19[%swap3A, %swap3A_73], %add3A_71 {strides = array<i32>} : memref<10000x64xf32, #tpu.memory_space<vmem>>, vector<10000x64xf32>,
    %swap3A_75 = arith.constant 0 : index
    %swap3A_76 = arith.constant 0 : index
    %swap3A_77 = vector.load %arg20[%swap3A_75, %swap3A_76] : memref<1x32xf32, #tpu.memory_space<vmem>>, vector<1x32xf32>
    tpu.vector_store %arg20[%swap3A_75, %swap3A_76], %add3A_72 {strides = array<i32>} : memref<1x32xf32, #tpu.memory_space<vmem>>, vector<1x32xf32>,
    %get3A_78 = arith.constant 0 : index
    %get3A_79 = arith.constant 0 : index
    %get3A_80 = vector.load %arg15[%get3A_78, %get3A_79] : memref<32x64xf32, #tpu.memory_space<vmem>>, vector<32x64xf32>
    %dot_general3A_81 = arith.constant dense<0.000000e+00> : vector<1x64xf32>
    %dot_general3A_82 = tpu.matmul %add3A_72, %get3A_80, %dot_general3A_81 {dimension_numbers = #tpu.dot_dimension_numbers<[1], [0], [0], [1], [0, 0, 1, 1], [], []>, transpose_lhs_hint = false} : vector<1x32xf32>, vector<32x64xf32>, vector<1x64xf32> -> vector<1x64xf32>
    %get3A_83 = arith.constant 0 : index
    %get3A_84 = arith.constant 0 : index
    %get3A_85 = vector.load %arg16[%get3A_83, %get3A_84] : memref<1x64xf32, #tpu.memory_space<vmem>>, vector<1x64xf32>
    %add3A_86 = arith.addf %dot_general3A_82, %get3A_85 : vector<1x64xf32>
    %get3A_87 = arith.constant 0 : index
    %get3A_88 = arith.constant 0 : index
    %get3A_89 = vector.load %arg13[%get3A_87, %get3A_88] : memref<64x64xf32, #tpu.memory_space<vmem>>, vector<64x64xf32>
    %dot_general3A_90 = arith.constant dense<0.000000e+00> : vector<10000x64xf32>
    %dot_general3A_91 = tpu.matmul %add3A_71, %get3A_89, %dot_general3A_90 {dimension_numbers = #tpu.dot_dimension_numbers<[1], [0], [0], [1], [0, 0, 1, 1], [], []>, transpose_lhs_hint = false} : vector<10000x64xf32>, vector<64x64xf32>, vector<10000x64xf32> -> vector<10000x64xf32>
    %add3A_92 = vector.broadcast %add3A_86 : vector<1x64xf32> to vector<10000x64xf32>
    %add3A_93 = arith.addf %dot_general3A_91, %add3A_92 : vector<10000x64xf32>
    %get3A_94 = arith.constant 0 : index
    %get3A_95 = arith.constant 0 : index
    %get3A_96 = vector.load %arg17[%get3A_94, %get3A_95] : memref<64x64xf32, #tpu.memory_space<vmem>>, vector<64x64xf32>
    %dot_general3A_97 = arith.constant dense<0.000000e+00> : vector<10000x64xf32>
    %dot_general3A_98 = tpu.matmul %add3A_71, %get3A_96, %dot_general3A_97 {dimension_numbers = #tpu.dot_dimension_numbers<[1], [0], [0], [1], [0, 0, 1, 1], [], []>, transpose_lhs_hint = false} : vector<10000x64xf32>, vector<64x64xf32>, vector<10000x64xf32> -> vector<10000x64xf32>
    %get3A_99 = arith.constant 0 : index
    %get3A_100 = arith.constant 0 : index
    %get3A_101 = vector.load %arg18[%get3A_99, %get3A_100] : memref<1x64xf32, #tpu.memory_space<vmem>>, vector<1x64xf32>
    %add3A_102 = vector.broadcast %get3A_101 : vector<1x64xf32> to vector<10000x64xf32>
    %add3A_103 = arith.addf %dot_general3A_98, %add3A_102 : vector<10000x64xf32>
    %concatenate3A_104 = tpu.concatenate %add3A_93, %add3A_103 in 1 : vector<10000x64xf32>, vector<10000x64xf32> -> vector<10000x128xf32>
    %swap3A_105 = arith.constant 0 : index
    %swap3A_106 = arith.constant 0 : index
    %swap3A_107 = vector.load %arg21[%swap3A_105, %swap3A_106] : memref<10000x128xf32, #tpu.memory_space<vmem>>, vector<10000x128xf32>
    tpu.vector_store %arg21[%swap3A_105, %swap3A_106], %concatenate3A_104 {strides = array<i32>} : memref<10000x128xf32, #tpu.memory_space<vmem>>, vector<10000x128xf32>,
    %get3A_108 = arith.constant 0 : index
    %get3A_109 = arith.constant 0 : index
    %get3A_110 = vector.load %arg14[%get3A_108, %get3A_109] : memref<64x64xf32, #tpu.memory_space<vmem>>, vector<64x64xf32>
    %dot_general3A_111 = arith.constant dense<0.000000e+00> : vector<10000x64xf32>
    %dot_general3A_112 = tpu.matmul %add3A_71, %get3A_110, %dot_general3A_111 {dimension_numbers = #tpu.dot_dimension_numbers<[1], [0], [0], [1], [0, 0, 1, 1], [], []>, transpose_lhs_hint = false} : vector<10000x64xf32>, vector<64x64xf32>, vector<10000x64xf32> -> vector<10000x64xf32>
    %broadcast_in_dim3A_113 = arith.constant 0.000000e+00 : f32
    %broadcast_in_dim3A_114 = vector.broadcast %broadcast_in_dim3A_113 : f32 to vector<10000x64xf32>
    %concatenate3A_115 = tpu.concatenate %dot_general3A_112, %broadcast_in_dim3A_114 in 1 : vector<10000x64xf32>, vector<10000x64xf32> -> vector<10000x128xf32>
    %swap3A_116 = arith.constant 0 : index
    %swap3A_117 = arith.constant 0 : index
    %swap3A_118 = vector.load %arg22[%swap3A_116, %swap3A_117] : memref<10000x128xf32, #tpu.memory_space<vmem>>, vector<10000x128xf32>
    tpu.vector_store %arg22[%swap3A_116, %swap3A_117], %concatenate3A_115 {strides = array<i32>} : memref<10000x128xf32, #tpu.memory_space<vmem>>, vector<10000x128xf32>,
    return
  }
}

module attributes {stable_mosaic.version = 14 : i64} {
  func.func @_dec_body(%arg0: i32, %arg1: memref<3200x32xf32, #tpu.memory_space<vmem>>, %arg2: memref<32x1xf32, #tpu.memory_space<vmem>>, %arg3: memref<1x1xf32, #tpu.memory_space<vmem>>, %arg4: memref<3200x1xf32, #tpu.memory_space<vmem>>) attributes {dimension_semantics = [#tpu.dimension_semantics<arbitrary>], iteration_bounds = array<i64: 50>, scalar_prefetch = 0 : i64, scratch_operands = 0 : i64, tpu.core_type = #tpu.core_type<tc>, window_params = [{transform_indices = @transform_0, window_bounds = array<i64: 3200, 32>}, {pipeline_mode = #tpu.pipeline_mode<synchronous>, transform_indices = @transform_1, window_bounds = array<i64: 32, 1>}, {pipeline_mode = #tpu.pipeline_mode<synchronous>, transform_indices = @transform_2, window_bounds = array<i64: 1, 1>}, {transform_indices = @transform_3, window_bounds = array<i64: 3200, 1>}]} {
    %get3A = arith.constant 0 : index
    %get3A_0 = arith.constant 0 : index
    %get3A_1 = vector.load %arg1[%get3A, %get3A_0] : memref<3200x32xf32, #tpu.memory_space<vmem>>, vector<3200x32xf32>
    %get3A_2 = arith.constant 0 : index
    %get3A_3 = arith.constant 0 : index
    %get3A_4 = vector.load %arg2[%get3A_2, %get3A_3] : memref<32x1xf32, #tpu.memory_space<vmem>>, vector<32x1xf32>
    %dot_general3A = arith.constant dense<0.000000e+00> : vector<3200x1xf32>
    %dot_general3A_5 = tpu.matmul %get3A_1, %get3A_4, %dot_general3A {dimension_numbers = #tpu.dot_dimension_numbers<[1], [0], [0], [1], [0, 0, 1, 1], [], []>, transpose_lhs_hint = false} : vector<3200x32xf32>, vector<32x1xf32>, vector<3200x1xf32> -> vector<3200x1xf32>
    %get3A_6 = arith.constant 0 : index
    %get3A_7 = arith.constant 0 : index
    %get3A_8 = vector.load %arg3[%get3A_6, %get3A_7] : memref<1x1xf32, #tpu.memory_space<vmem>>, vector<1x1xf32>
    %add3A = vector.broadcast %get3A_8 : vector<1x1xf32> to vector<3200x1xf32>
    %add3A_9 = arith.addf %dot_general3A_5, %add3A : vector<3200x1xf32>
    %swap3A = arith.constant 0 : index
    %swap3A_10 = arith.constant 0 : index
    %swap3A_11 = vector.load %arg4[%swap3A, %swap3A_10] : memref<3200x1xf32, #tpu.memory_space<vmem>>, vector<3200x1xf32>
    tpu.vector_store %arg4[%swap3A, %swap3A_10], %add3A_9 {strides = array<i32>} : memref<3200x1xf32, #tpu.memory_space<vmem>>, vector<3200x1xf32>,
    return
  }
  func.func @transform_0(%arg0: i32) -> (i32, i32) {
    %c0_i32 = arith.constant 0 : i32
    %c0_i32_0 = arith.constant 0 : i32
    return %arg0, %c0_i32 : i32, i32
  }
  func.func @transform_1(%arg0: i32) -> (i32, i32) {
    %c0_i32 = arith.constant 0 : i32
    %c0_i32_0 = arith.constant 0 : i32
    %c0_i32_1 = arith.constant 0 : i32
    return %c0_i32, %c0_i32_0 : i32, i32
  }
  func.func @transform_2(%arg0: i32) -> (i32, i32) {
    %c0_i32 = arith.constant 0 : i32
    %c0_i32_0 = arith.constant 0 : i32
    %c0_i32_1 = arith.constant 0 : i32
    return %c0_i32, %c0_i32_0 : i32, i32
  }
  func.func @transform_3(%arg0: i32) -> (i32, i32) {
    %c0_i32 = arith.constant 0 : i32
    %c0_i32_0 = arith.constant 0 : i32
    return %arg0, %c0_i32 : i32, i32
  }
}

module attributes {stable_mosaic.version = 14 : i64} {
  func.func @_val_body(%arg0: memref<1x32xf32, #tpu.memory_space<vmem>>, %arg1: memref<32x32xf32, #tpu.memory_space<vmem>>, %arg2: memref<1x32xf32, #tpu.memory_space<vmem>>, %arg3: memref<32x1xf32, #tpu.memory_space<vmem>>, %arg4: memref<1x1xf32, #tpu.memory_space<vmem>>, %arg5: memref<1x1xf32, #tpu.memory_space<vmem>>) attributes {dimension_semantics = [], scalar_prefetch = 0 : i64, scratch_operands = 0 : i64, tpu.core_type = #tpu.core_type<tc>} {
    %get3A = arith.constant 0 : index
    %get3A_0 = arith.constant 0 : index
    %get3A_1 = vector.load %arg0[%get3A, %get3A_0] : memref<1x32xf32, #tpu.memory_space<vmem>>, vector<1x32xf32>
    %get3A_2 = arith.constant 0 : index
    %get3A_3 = arith.constant 0 : index
    %get3A_4 = vector.load %arg1[%get3A_2, %get3A_3] : memref<32x32xf32, #tpu.memory_space<vmem>>, vector<32x32xf32>
    %dot_general3A = arith.constant dense<0.000000e+00> : vector<1x32xf32>
    %dot_general3A_5 = tpu.matmul %get3A_1, %get3A_4, %dot_general3A {dimension_numbers = #tpu.dot_dimension_numbers<[1], [0], [0], [1], [0, 0, 1, 1], [], []>, transpose_lhs_hint = false} : vector<1x32xf32>, vector<32x32xf32>, vector<1x32xf32> -> vector<1x32xf32>
    %get3A_6 = arith.constant 0 : index
    %get3A_7 = arith.constant 0 : index
    %get3A_8 = vector.load %arg2[%get3A_6, %get3A_7] : memref<1x32xf32, #tpu.memory_space<vmem>>, vector<1x32xf32>
    %add3A = arith.addf %dot_general3A_5, %get3A_8 : vector<1x32xf32>
    %jit3A = arith.constant 0.00999999977 : f32
    %ge3A = arith.constant 0.000000e+00 : f32
    %ge3A_9 = vector.broadcast %ge3A : f32 to vector<1x32xf32>
    %ge3A_10 = arith.cmpf oge, %add3A, %ge3A_9 : vector<1x32xf32>
    %mul3A = vector.broadcast %jit3A : f32 to vector<1x32xf32>
    %mul3A_11 = arith.mulf %mul3A, %add3A : vector<1x32xf32>
    %select_n3A = arith.select %ge3A_10, %add3A, %mul3A_11 : vector<1x32xi1>, vector<1x32xf32>
    %get3A_12 = arith.constant 0 : index
    %get3A_13 = arith.constant 0 : index
    %get3A_14 = vector.load %arg3[%get3A_12, %get3A_13] : memref<32x1xf32, #tpu.memory_space<vmem>>, vector<32x1xf32>
    %dot_general3A_15 = arith.constant dense<0.000000e+00> : vector<1x1xf32>
    %dot_general3A_16 = tpu.matmul %select_n3A, %get3A_14, %dot_general3A_15 {dimension_numbers = #tpu.dot_dimension_numbers<[1], [0], [0], [1], [0, 0, 1, 1], [], []>, transpose_lhs_hint = false} : vector<1x32xf32>, vector<32x1xf32>, vector<1x1xf32> -> vector<1x1xf32>
    %get3A_17 = arith.constant 0 : index
    %get3A_18 = arith.constant 0 : index
    %get3A_19 = vector.load %arg4[%get3A_17, %get3A_18] : memref<1x1xf32, #tpu.memory_space<vmem>>, vector<1x1xf32>
    %add3A_20 = arith.addf %dot_general3A_16, %get3A_19 : vector<1x1xf32>
    %swap3A = arith.constant 0 : index
    %swap3A_21 = arith.constant 0 : index
    %swap3A_22 = vector.load %arg5[%swap3A, %swap3A_21] : memref<1x1xf32, #tpu.memory_space<vmem>>, vector<1x1xf32>
    tpu.vector_store %arg5[%swap3A, %swap3A_21], %add3A_20 {strides = array<i32>} : memref<1x1xf32, #tpu.memory_space<vmem>>, vector<1x1xf32>,
    return
  }
}

</mosaic_0001>

<sc_bundles>
// kernel: closed_call.36.cloned.1.call-start
scs
__scs_entry_jumppad:
0x0: {  	(pc) =	sbr.rel $0x88, $3  }
0x1: {  	(tag) =	ssettag $0x0;
	lr =	simm.s32 $0x1  }
0x2: {  	[smem:$0x3F67] =	sst lr;
	_ =	strace $0xD0000000  }
0x3: {  	_ = 	snop  }
0x4: {  	_ = 	snop  }
0x5: {  	_ = 	snop  }
0x6: {  	_ = 	snop  }
0x7: {  	_ = 	snop  }
__scs_overlays_trampoline_lowered:
0x8: {  	[smem:$0x3F76] =	sst s0  }
0x9: {  	[smem:$0x3F77] =	sst s1  }
0xa: {  	[smem:$0x3F78] =	sst s2  }
0xb: {  	[smem:$0x3F79] =	sst s3  }
0xc: {  	[smem:$0x3F7A] =	sst s4  }
0xd: {  	[smem:$0x3F7B] =	sst s5  }
0xe: {  	[smem:$0x3F7C] =	sst s6  }
0xf: {  	[smem:$0x3F7D] =	sst s7  }
0x10: {  	[smem:$0x3F7E] =	sst s8  }
0x11: {  	[smem:$0x3F7F] =	sst s9;
	s0 =	simm.s32 @!p0 $0x0  }
0x12: {  	s1 =	sld [smem:$0x3F65];
	s0 =	simm.s32 @p0 $0x1  }
0x13: {  	[smem:$0x3F80] =	sst s0;
	s0 =	simm.s32 @!p1 $0x0  }
0x14: {  	s2 =	sld [smem:$0x3F64];
	s0 =	simm.s32 @p1 $0x1  }
0x15: {  	[smem:$0x3F81] =	sst s0;
	s0 =	simm.s32 @!p2 $0x0  }
0x16: {  	s3 =	sld [smem:$0x3FDB];
	s0 =	simm.s32 @p2 $0x1  }
0x17: {  	s4 =	simm.s32 $0x1BF5;
	[smem:$0x3F83] =	sst s0  }
0x18: {  	s0 =	sld [smem:$0x3F66];
	_ =	swait.ge [sflag:s4], $0x0  }
0x19: {  	s7 =	sld [smem:$0x3F67]  }
0x1a: {  	s8 =	sadd.s32 $0xFFFFE003, lr  }
0x1b: {  	s9 =	sadd.s32 $0xFFFFFEF7, lr;
	s5 =	simm.s32 $0xFFFFFFFF;
	p2 =	slt.u32 s8, $0xFFFFF086  }
0x1c: {  	p1 =	slt.u32 s9, $0xF7A;
	s5 =	simm.s32 @!p2 $0x0  }
0x1d: {  	s5 =	simm.s32 @p1 $0x1;
	p0 =	seq.s32 s7, s2  }
0x1e: {  	s7 =	smul.u32 @!p0 $0xF7A, s2;
	p2 =	seq.s32 @!p0 s5, $0x0  }
0x1f: {  	s9 =	smul.u32 $0xF7A, s1;
	s8 =	simm.s32 @!p0 $0x1BF5;
	p2 =	por !p2, p0  }
0x20: {  	[sflag:s8] =	ssyncset.s32 @!p0 $0xFFFFF086;
	s6 =	sadd.s32 @!p0 s3, s7;
	s7 =	simm.s32 @!p0 $0x108  }
0x21: {  	s3 =	sadd.s32 s3, s9;
	s6 =	sadd.s32 @!p0 $0x88, s6;
	s7 =	simm.s32 @p2 $0x1082  }
0x22: {  	[simem:s7], [sflag:s8] =	dma.local @!p0 [hbm:s6], $0xF7A  }
0x23: {  	s9 =	sor.u32 $0xD0000000, s2;
	s6 =	simm.s32 $0x108;
	_ =	swait.ge @!p0 [sflag:s8], $0x0  }
0x24: {  	s3 =	sadd.s32 $0x88, s3;
	s6 =	simm.s32 @!p1 $0x1082;
	[sflag:s4] =	ssyncset.s32 $0xFFFFF086  }
0x25: {  	[simem:s6], [sflag:s4] =	dma.local [hbm:s3], $0xF7A  }
0x26: {  	[smem:$0x3F67] =	sst s1;
	(tag) =	ssettag s2;
	_ =	strace s9  }
0x27: {  	s1 =	sld [smem:$0x3F77]  }
0x28: {  	s2 =	sld [smem:$0x3F78]  }
0x29: {  	s4 =	sld [smem:$0x3F7A]  }
0x2a: {  	p0 =	seq.s32 s5, $0x0;
	s5 =	sld [smem:$0x3F7B]  }
0x2b: {  	s6 =	sld [smem:$0x3F7C]  }
0x2c: {  	s7 =	sld [smem:$0x3F7D]  }
0x2d: {  	s3 =	simm.s32 $0x108;
	s8 =	sld [smem:$0x3F7E]  }
0x2e: {  	s3 =	simm.s32 @!p0 $0x1082;
	s9 =	sld [smem:$0x3F7F]  }
0x2f: {  	lr =	sadd.s32 s0, s3;
	s0 =	sld [smem:$0x3F76]  }
0x30: {  	s3 =	sld [smem:$0x3F79]  }
0x31: {  	[smem:$0x3F82] =	sst s10  }
0x32: {  	s10 =	sld [smem:$0x3F80];
	_ =	sdelay $0x3  }
0x33: {  	p0 =	seq.s32 s10, $0x1;
	s10 =	sld [smem:$0x3F82];
	_ =	sdelay $0x3  }
0x34: {  	[smem:$0x3F82] =	sst s10  }
0x35: {  	s10 =	sld [smem:$0x3F81];
	_ =	sdelay $0x3  }
0x36: {  	p1 =	seq.s32 s10, $0x1;
	s10 =	sld [smem:$0x3F82];
	_ =	sdelay $0x3  }
0x37: {  	[smem:$0x3F82] =	sst s10  }
0x38: {  	s10 =	sld [smem:$0x3F83]  }
0x39: {  	_ = 	snop;
	(pc) =	sbr.ind lr, $3  }
0x3a: {  	_ = 	snop  }
0x3b: {  	_ = 	snop  }
0x3c: {  	p2 =	seq.s32 s10, $0x1;
	s10 =	sld [smem:$0x3F82]  }
0x3d: {  	_ =	shalt  }
0x3e: {  	_ =	shalt  }
0x3f: {  	_ =	shalt  }
0x40: {  	_ =	shalt  }
0x41: {  	_ =	shalt  }
0x42: {  	_ =	shalt  }
0x43: {  	_ =	shalt  }
0x44: {  	_ =	shalt  }
0x45: {  	_ =	shalt  }
0x46: {  	_ =	shalt  }
0x47: {  	_ =	shalt  }
0x48: {  	_ =	shalt  }
0x49: {  	_ =	shalt  }
0x4a: {  	_ =	shalt  }
0x4b: {  	_ =	shalt  }
0x4c: {  	_ =	shalt  }
0x4d: {  	_ =	shalt  }
0x4e: {  	_ =	shalt  }
0x4f: {  	_ =	shalt  }
0x50: {  	_ =	shalt  }
0x51: {  	_ =	shalt  }
0x52: {  	_ =	shalt  }
0x53: {  	_ =	shalt  }
0x54: {  	_ =	shalt  }
0x55: {  	_ =	shalt  }
0x56: {  	_ =	shalt  }
0x57: {  	_ =	shalt  }
0x58: {  	_ =	shalt  }
0x59: {  	_ =	shalt  }
0x5a: {  	_ =	shalt  }
0x5b: {  	_ =	shalt  }
0x5c: {  	_ =	shalt  }
0x5d: {  	_ =	shalt  }
0x5e: {  	_ =	shalt  }
0x5f: {  	_ =	shalt  }
0x60: {  	_ =	shalt  }
0x61: {  	_ =	shalt  }
0x62: {  	_ =	shalt  }
0x63: {  	_ =	shalt  }
0x64: {  	_ =	shalt  }
0x65: {  	_ =	shalt  }
0x66: {  	_ =	shalt  }
0x67: {  	_ =	shalt  }
0x68: {  	_ =	shalt  }
0x69: {  	_ =	shalt  }
0x6a: {  	_ =	shalt  }
0x6b: {  	_ =	shalt  }
0x6c: {  	_ =	shalt  }
0x6d: {  	_ =	shalt  }
0x6e: {  	_ =	shalt  }
0x6f: {  	_ =	shalt  }
0x70: {  	_ =	shalt  }
0x71: {  	_ =	shalt  }
0x72: {  	_ =	shalt  }
0x73: {  	_ =	shalt  }
0x74: {  	_ =	shalt  }
0x75: {  	_ =	shalt  }
0x76: {  	_ =	shalt  }
0x77: {  	_ =	shalt  }
0x78: {  	_ =	shalt  }
0x79: {  	_ =	shalt  }
0x7a: {  	_ =	shalt  }
0x7b: {  	_ =	shalt  }
0x7c: {  	_ =	shalt  }
0x7d: {  	_ =	shalt  }
0x7e: {  	_ =	shalt  }
0x7f: {  	_ =	shalt  }
0x80: {  	_ =	shalt  }
0x81: {  	_ =	shalt  }
0x82: {  	_ =	shalt  }
0x83: {  	_ =	shalt  }
0x84: {  	_ =	shalt  }
0x85: {  	_ =	shalt  }
0x86: {  	_ =	shalt  }
0x87: {  	_ =	shalt  }
.Lfunc_end0:
.L_simem_size_0:
called_computation_lowered:
.L_overlay_start_0:
0x88: {  	s2 =	sld [smem:$0x3FD9]  }
0x89: {  	s3 =	sld [smem:$0x3FFE];
	_ =	sdelay $0x1  }
0x8a: {  	s1 =	srdreg.scid  }
0x8b: {  	s0 =	sand.u32 $0x1, s1  }
0x8c: {  	s14 =	sshll.u32 s0, $0xA;
	s2 =	sadd.s32 s3, s2  }
0x8d: {  	s2 =	sadd.s32 s2, s14  }
0x8e: {  	[smem:$0x3F8E] =	sst s2  }
0x8f: {  	_ = 	snop  }
0x90: {  	s2 =	sld [smem:$0x3FD0];
	_ =	sdelay $0x2  }
0x91: {  	s15 =	simm.s32 $0xB;
	s4 =	simm.s32 $0x10  }
0x92: {  	[smem:s4], [sflag:s15] =	dma.local [hbm:s2], $0x1  }
0x93: {  	_ =	swait.eq [sflag:s15], $0x1  }
0x94: {  	[sflag:s15] =	ssyncset.done $0x0  }
0x95: {  	[sflag:s15] =	ssyncadd.s32 $0xFFFFFFFF  }
0x96: {  	s16 =	sld [smem:$0x10];
	(tm) =	ssettm $0x1  }
0x97: {  	s17 =	sld [smem:$0x3FFB];
	_ =	sdelay $0x3  }
0x98: {  	_ =	strace s17  }
0x99: {  	s3 =	sld [smem:$0x3FFC];
	_ =	sdelay $0x3  }
0x9a: {  	_ =	strace s3  }
0x9b: {  	s3 =	sld [smem:$0x3FFD];
	_ =	sdelay $0x3  }
0x9c: {  	_ =	strace s3  }
0x9d: {  	_ =	strace $0x8FFFFFFF  }
0x9e: {  	s18 =	sld [smem:$0x3FDB];
	_ =	sdelay $0x1  }
0x9f: {  	s19 =	simm.s32 $_scs_section_size  }
0xa0: {  	s5 =	simm.s32 $_size__tile_overlayer_lowered;
	s6 =	simm.s32 $_tile_overlayer_lowered  }
0xa1: {  	s22 =	simm.s32 $0x1BFF;
	s21 =	sshll.u32 s6, $0x1;
	s3 =	sadd.s32 s19, s18  }
0xa2: {  	s7 =	simm.s32 $0x0;
	s20 =	sshll.u32 s5, $0x1;
	s5 =	sadd.s32 s21, s3  }
0xa3: {  	[timem:s7], [sflag:s22] =	dma.local [hbm:s5], s20  }
0xa4: {  	_ =	swait.ge [sflag:s22], s20  }
0xa5: {  	s4 =	ssub.s32 $0x0, s20;
	[sflag:s22] =	ssyncset.done $0x0  }
0xa6: {  	[sflag:s22] =	ssyncadd.s32 s4;
	_ =	sdelay $0x1  }
0xa7: {  	s23 =	simm.s32 $0x1B8B  }
0xa8: {  	_ =	swait.ge [sflag:s23], $0x1  }
0xa9: {  	[sflag:s23] =	ssyncset.done $0x0  }
0xaa: {  	s25 =	simm.s32 $0x1B8E;
	s24 =	sld [smem:$0x3FFE];
	[sflag:s23] =	ssyncadd.s32 $0xFFFFFFFF  }
0xab: {  	s26 =	simm.s32 $execute0_lowered;
	[smem:$0x3FD2] =	sst s25  }
0xac: {  	s5 =	sshll.u32 s26, $0x1;
	_ =	strace $0x80000049;
	[dreg:$0x1] =	wrdreg $0xFFFFFFFF  }
0xad: {  	s28 =	simm.s32 $_size_execute0_lowered;
	s3 =	sadd.s32 s3, s5;
	[dreg:$0x0] =	wrdreg $0x0  }
0xae: {  	s5 =	sshll.u32 s28, $0x1;
	[dreg:$0x2] =	wrdreg s3  }
0xaf: {  	[dreg:$0x3] =	wrdreg s5  }
0xb0: {  	[dreg:$0x4] =	wrdreg $0xC0  }
0xb1: {  	_ =	task [dreg:s7], $0x5FFFF  }
0xb2: {  	[dreg:$0x1] =	wrdreg $0xFFFFFFFF  }
0xb3: {  	[dreg:$0x0] =	wrdreg $0x60  }
0xb4: {  	[dreg:$0x2] =	wrdreg s24  }
0xb5: {  	[dreg:$0x3] =	wrdreg s16  }
0xb6: {  	[dreg:$0x4] =	wrdreg $0x9  }
0xb7: {  	_ =	task.clear_ibuf [dreg:s7], $0x5FFFF;
	_ =	strace $0x90000049  }
0xb8: {  	s29 =	simm.s32 $0x9;
	_ =	strace $0x8000004B  }
0xb9: {  	_ =	swait.ge [sflag:s29], $0x1  }
0xba: {  	[sflag:s29] =	ssyncadd.s32 $0xFFFFFFFF  }
0xbb: {  	_ =	strace $0x9000004B  }
0xbc: {  	_ =	sfence  }
0xbd: {  	s30 =	sld [smem:$0x0];
	_ =	sdelay $0x2  }
0xbe: {  	s31 =	sshll.u32 s1, $0xD;
	s1 =	sshrl.u32 s1, $0x2  }
0xbf: {  	s3 =	sand.u32 $0x4000, s31;
	s1 =	sadd.s32 s1, s30  }
0xc0: {  	s0 =	sor.u32 s3, s0;
	s1 =	sshll.u32 s1, $0x11  }
0xc1: {  	s0 =	sor.u32 s1, s0  }
0xc2: {  	s0 =	sadd.s32 $0x8F2B, s0  }
0xc3: {  	[sflag:s0] =	ssyncadd.remote.s32 $0x1  }
0xc4: {  	_ =	sfence.sel $0xFFFF  }
0xc5: {  	[dreg:$0x0] =	wrdreg $0xFFFFFFFF;
	(pc) =	sbr.abs _section_cstart, $3  }
0xc6: {  	[dreg:$0x1] =	wrdreg $0xFFFFFFFF  }
0xc7: {  	_ =	task.clear_ibuf [dreg:s7], $0x2FFFF;
	_ =	strace $0x9FFFFFFF  }
0xc8: {  	(tm) =	ssettm $0x7FFFFFFF  }
0xc9: {  	_ =	shalt  }
tec
execute0_lowered:
.L_overlay_start_1:
0x0: {  	(tag) =	ssettag $0x1  }
0x1: {  	s5 =	rddreg [dreg:$0x0]  }
0x2: {  	s8 =	rddreg [dreg:$0x1]  }
0x3: {  	s0 =	rddreg [dreg:$0x2]  }
0x4: {  	s2 =	simm.s32 $0x0;
	s3 =	srdreg.scid;
	s1 =	stileid.u32  }
0x5: {  	s13 =	simm.s32 $0x1;
	s14 =	simm.s32 $0x0;
	s7 =	smul.u32 $0x2710, s1  }
0x6: {  	s6 =	sand.u32 $0x1, s3;
	s3 =	sadd.s32 $0x2D4800, s5;
	s10 =	smul.u32 $0x27100, s1  }
0x7: {  	[smem:$0x7FF] =	sst s2;
	s4 =	sadd.s32 $0x2FBA00, s5;
	s9 =	smul.u32 $0x1388, s6  }
0x8: {  	_ =	strace $0x8000004A;
	s11 =	ssub.s32 $0x2, s6;
	s6 =	smul.u32 $0x13880, s6  }
0x9: {  	s29 =	sshrl.u32 s11, $0x1;
	s30 =	sadd.s32 s10, s5;
	s7 =	sadd.s32 s9, s7  }
0xa: {  	s10 =	simm.s32 $0x2;
	s9 =	ssub.s32 s11, s29;
	s12 =	sshrl.u32 s7, $0x3  }
0xb: {  	s11 =	simm.s32 $0x3E8;
	s7 =	sadd.s32 s6, s30;
	s31 =	sadd.s32 s12, s5  }
0xc: {  	s5 =	smax.u32 s9, $0x1;
	s6 =	sadd.s32 $0x787E00, s7;
	s7 =	sadd.s32 $0x9F8E00, s7  }
0xd: {  	s8 =	sadd.s32 s12, s8;
	s12 =	simm.s32 $0x400;
	s9 =	sadd.s32 $0x2A5E00, s31  }
.LBB2_1:
0xe: {  	s15 =	sadd.s32 $0x0, s9  }
0xf: {  	[tilespmem:s2], [sflag:$0x2] =	stream.linear.gather [hbm4b:s15+s2], $0x3E8, $0x38;
	[tilespmem:$0x1F800] =	vst v63  }
0x10: {  	_ =	swait.ge [sflag:s10], $0x3E8  }
0x11: {  	[sflag:s10] =	ssyncset.done $0x0  }
0x12: {  	[sflag:s10] =	ssyncadd.s32 $0xFFFFFC18  }
0x13: {  	[tilespmem:s12], [sflag:$0x1] =	stream.indirect.gather [hbm4b:s3+s11], $0x80, s2, s11, $0xb8;
	[tilespmem:$0x1F800] =	vst v63  }
0x14: {  	_ =	swait.ge [sflag:s13], $0x1F400  }
0x15: {  	[sflag:s13] =	ssyncset.done $0x0  }
0x16: {  	[sflag:s13] =	ssyncadd.s32 $0xFFFE0C00  }
0x17: {  	[hbm4b:s6+s2] =	stream.linear.scatter [tilespmem:s12], [sflag:$0x2], $0x1F400, $0x38;
	[tilespmem:$0x1F800] =	vst v63  }
0x18: {  	_ =	swait.ge [sflag:s10], $0x1F400  }
0x19: {  	[sflag:s10] =	ssyncset.done $0x0  }
0x1a: {  	s31 =	sadd.s32 $0x0, s8;
	[sflag:s10] =	ssyncadd.s32 $0xFFFE0C00  }
0x1b: {  	[tilespmem:s2], [sflag:$0x2] =	stream.linear.gather [hbm4b:s31+s2], $0x3E8, $0x38;
	[tilespmem:$0x1F800] =	vst v63  }
0x1c: {  	_ =	swait.ge [sflag:s10], $0x3E8  }
0x1d: {  	[sflag:s10] =	ssyncset.done $0x0  }
0x1e: {  	[sflag:s10] =	ssyncadd.s32 $0xFFFFFC18  }
0x1f: {  	[tilespmem:s12], [sflag:$0x1] =	stream.indirect.gather [hbm4b:s4+s11], $0x80, s2, s11, $0xb8;
	[tilespmem:$0x1F800] =	vst v63  }
0x20: {  	_ =	swait.ge [sflag:s13], $0x1F400  }
0x21: {  	[sflag:s13] =	ssyncset.done $0x0  }
0x22: {  	[sflag:s13] =	ssyncadd.s32 $0xFFFE0C00  }
0x23: {  	[hbm4b:s7+s2] =	stream.linear.scatter [tilespmem:s12], [sflag:$0x2], $0x1F400, $0x38;
	[tilespmem:$0x1F800] =	vst v63  }
0x24: {  	s16 =	simm.s32 $0x7D;
	s18 =	simm.s32 $0xFA;
	_ =	swait.ge [sflag:s10], $0x1F400  }
0x25: {  	s17 =	sadd.s32 $0x3E80, s6;
	s15 =	sadd.s32 $0x3E80, s7;
	[sflag:s10] =	ssyncset.done $0x0  }
.LBB2_2:
0x26: {  	s19 =	sadd.s32 s16, s9  }
0x27: {  	[sflag:s10] =	ssyncadd.s32 $0xFFFE0C00;
	s20 =	smov.u32 s18;
	s21 =	sadd.s32 $0x7D, s18  }
0x28: {  	[tilespmem:s2], [sflag:$0x2] =	stream.linear.gather [hbm4b:s19+s2], $0x3E8, $0x38;
	[tilespmem:$0x1F800] =	vst v63  }
0x29: {  	p0 =	sne.s32 s18, $0x1F4;
	_ =	swait.ge [sflag:s10], $0x3E8  }
0x2a: {  	[sflag:s10] =	ssyncset.done $0x0  }
0x2b: {  	[sflag:s10] =	ssyncadd.s32 $0xFFFFFC18  }
0x2c: {  	[tilespmem:s12], [sflag:$0x1] =	stream.indirect.gather [hbm4b:s3+s11], $0x80, s2, s11, $0xb8;
	[tilespmem:$0x1F800] =	vst v63  }
0x2d: {  	_ =	swait.ge [sflag:s13], $0x1F400  }
0x2e: {  	[sflag:s13] =	ssyncset.done $0x0  }
0x2f: {  	[sflag:s13] =	ssyncadd.s32 $0xFFFE0C00  }
0x30: {  	[hbm4b:s17+s2] =	stream.linear.scatter [tilespmem:s12], [sflag:$0x2], $0x1F400, $0x38;
	[tilespmem:$0x1F800] =	vst v63  }
0x31: {  	_ =	swait.ge [sflag:s10], $0x1F400  }
0x32: {  	[sflag:s10] =	ssyncset.done $0x0  }
0x33: {  	s18 =	sadd.s32 s16, s8;
	s16 =	smov.u32 s20;
	[sflag:s10] =	ssyncadd.s32 $0xFFFE0C00  }
0x34: {  	[tilespmem:s2], [sflag:$0x2] =	stream.linear.gather [hbm4b:s18+s2], $0x3E8, $0x38;
	[tilespmem:$0x1F800] =	vst v63  }
0x35: {  	_ =	swait.ge [sflag:s10], $0x3E8  }
0x36: {  	[sflag:s10] =	ssyncset.done $0x0  }
0x37: {  	[sflag:s10] =	ssyncadd.s32 $0xFFFFFC18  }
0x38: {  	[tilespmem:s12], [sflag:$0x1] =	stream.indirect.gather [hbm4b:s4+s11], $0x80, s2, s11, $0xb8;
	[tilespmem:$0x1F800] =	vst v63  }
0x39: {  	_ =	swait.ge [sflag:s13], $0x1F400  }
.Ltmp0:
0x3a: {  	[sflag:s13] =	ssyncset.done $0x0;
	(pc) =	sbr.rel @p0 .LBB2_2-.Ltmp0, $4  }
0x3b: {  	[sflag:s13] =	ssyncadd.s32 $0xFFFE0C00  }
0x3c: {  	[hbm4b:s15+s2] =	stream.linear.scatter [tilespmem:s12], [sflag:$0x2], $0x1F400, $0x38;
	[tilespmem:$0x1F800] =	vst v63  }
0x3d: {  	s17 =	sadd.s32 $0x3E80, s17;
	_ =	swait.ge [sflag:s10], $0x1F400  }
0x3e: {  	s18 =	smov.u32 s21;
	s15 =	sadd.s32 $0x3E80, s15;
	[sflag:s10] =	ssyncset.done $0x0  }
0x3f: {  	s18 =	sadd.s32 s16, s9;
	[sflag:s10] =	ssyncadd.s32 $0xFFFE0C00  }
0x40: {  	[tilespmem:s2], [sflag:$0x2] =	stream.linear.gather [hbm4b:s18+s2], $0x3E8, $0x38;
	[tilespmem:$0x1F800] =	vst v63  }
0x41: {  	_ =	swait.ge [sflag:s10], $0x3E8  }
0x42: {  	[sflag:s10] =	ssyncset.done $0x0  }
0x43: {  	[sflag:s10] =	ssyncadd.s32 $0xFFFFFC18  }
0x44: {  	[tilespmem:s12], [sflag:$0x1] =	stream.indirect.gather [hbm4b:s3+s11], $0x80, s2, s11, $0xb8;
	[tilespmem:$0x1F800] =	vst v63  }
0x45: {  	_ =	swait.ge [sflag:s13], $0x1F400  }
0x46: {  	[sflag:s13] =	ssyncset.done $0x0  }
0x47: {  	[sflag:s13] =	ssyncadd.s32 $0xFFFE0C00  }
0x48: {  	[hbm4b:s17+s2] =	stream.linear.scatter [tilespmem:s12], [sflag:$0x2], $0x1F400, $0x38;
	[tilespmem:$0x1F800] =	vst v63  }
0x49: {  	_ =	swait.ge [sflag:s10], $0x1F400  }
0x4a: {  	[sflag:s10] =	ssyncset.done $0x0  }
0x4b: {  	s31 =	sadd.s32 s16, s8;
	[sflag:s10] =	ssyncadd.s32 $0xFFFE0C00  }
0x4c: {  	[tilespmem:s2], [sflag:$0x2] =	stream.linear.gather [hbm4b:s31+s2], $0x3E8, $0x38;
	[tilespmem:$0x1F800] =	vst v63  }
0x4d: {  	_ =	swait.ge [sflag:s10], $0x3E8  }
0x4e: {  	[sflag:s10] =	ssyncset.done $0x0  }
0x4f: {  	[sflag:s10] =	ssyncadd.s32 $0xFFFFFC18  }
0x50: {  	[tilespmem:s12], [sflag:$0x1] =	stream.indirect.gather [hbm4b:s4+s11], $0x80, s2, s11, $0xb8;
	[tilespmem:$0x1F800] =	vst v63  }
0x51: {  	s14 =	sadd.s32 $0x1, s14;
	_ =	swait.ge [sflag:s13], $0x1F400  }
0x52: {  	p0 =	sne.s32 s14, s5;
	[sflag:s13] =	ssyncset.done $0x0  }
.Ltmp1:
0x53: {  	[sflag:s13] =	ssyncadd.s32 $0xFFFE0C00;
	(pc) =	sbr.rel @p0 .LBB2_1-.Ltmp1, $4  }
0x54: {  	[hbm4b:s15+s2] =	stream.linear.scatter [tilespmem:s12], [sflag:$0x2], $0x1F400, $0x38;
	[tilespmem:$0x1F800] =	vst v63  }
0x55: {  	_ =	swait.ge [sflag:s10], $0x1F400  }
0x56: {  	[sflag:s10] =	ssyncset.done $0x0  }
0x57: {  	[sflag:s10] =	ssyncadd.s32 $0xFFFE0C00  }
0x58: {  	_ =	sfence.sel $0x180000  }
0x59: {  	[bflag:$0x0] =	sbarrier.arrive $0xFFFF  }
0x5a: {  	p0 =	sne.s32 s1, $0x0;
	_ =	strace $0x9000004A  }
0x5b: {  	s0 =	sadd.s32 @!p0 $0x100000, s0;
	[bflag:$0x2] =	sbarrier.arrive $0xFFFF  }
0x5c: {  	[sflag:s0] =	ssyncadd.tile.s32 @!p0 $0x1;
	_ =	shalt  }
.Lfunc_end2:
_tile_overlayer_lowered:
.L_overlay_start_2:
0x5d: {  	(tag) =	ssettag $0x2  }
0x5e: {  	s0 =	rddreg [dreg:$0x0];
	s2 =	stileid.u32  }
0x5f: {  	s1 =	rddreg [dreg:$0x1];
	p0 =	sne.s32 s2, $0x0  }
0x60: {  	s3 =	rddreg [dreg:$0x2];
	[bflag:$0x3] =	sbarrier.arrive $0xFFFF;
	s2 =	simm.s32 @!p0 $0x1C02  }
0x61: {  	[timem:s3], [sflag:s2] =	dma.local @!p0 [hbm:s0], s1  }
0x62: {  	s0 =	simm.s32 @!p0 $0x2  }
0x63: {  	_ =	swait.ge @!p0 [sflag:s0], s1  }
0x64: {  	s1 =	ssub.s32 @!p0 $0x0, s1;
	[sflag:s0] =	ssyncset.done @!p0 $0x0  }
0x65: {  	[sflag:s0] =	ssyncadd.s32 @!p0 s1  }
0x66: {  	[bflag:$0x3] =	sbarrier.arrive $0xFFFF  }
0x67: {  	_ =	shalt  }

// kernel: closed_call.39.cloned.1.call-start
scs
__scs_entry_jumppad:
0x0: {  	(pc) =	sbr.rel $0x88, $3  }
0x1: {  	(tag) =	ssettag $0x0;
	lr =	simm.s32 $0x1  }
0x2: {  	[smem:$0x3F67] =	sst lr;
	_ =	strace $0xD0000000  }
0x3: {  	_ = 	snop  }
0x4: {  	_ = 	snop  }
0x5: {  	_ = 	snop  }
0x6: {  	_ = 	snop  }
0x7: {  	_ = 	snop  }
__scs_overlays_trampoline_lowered:
0x8: {  	[smem:$0x3F76] =	sst s0  }
0x9: {  	[smem:$0x3F77] =	sst s1  }
0xa: {  	[smem:$0x3F78] =	sst s2  }
0xb: {  	[smem:$0x3F79] =	sst s3  }
0xc: {  	[smem:$0x3F7A] =	sst s4  }
0xd: {  	[smem:$0x3F7B] =	sst s5  }
0xe: {  	[smem:$0x3F7C] =	sst s6  }
0xf: {  	[smem:$0x3F7D] =	sst s7  }
0x10: {  	[smem:$0x3F7E] =	sst s8  }
0x11: {  	[smem:$0x3F7F] =	sst s9;
	s0 =	simm.s32 @!p0 $0x0  }
0x12: {  	s1 =	sld [smem:$0x3F65];
	s0 =	simm.s32 @p0 $0x1  }
0x13: {  	[smem:$0x3F80] =	sst s0;
	s0 =	simm.s32 @!p1 $0x0  }
0x14: {  	s2 =	sld [smem:$0x3F64];
	s0 =	simm.s32 @p1 $0x1  }
0x15: {  	[smem:$0x3F81] =	sst s0;
	s0 =	simm.s32 @!p2 $0x0  }
0x16: {  	s3 =	sld [smem:$0x3FDB];
	s0 =	simm.s32 @p2 $0x1  }
0x17: {  	s4 =	simm.s32 $0x1BF5;
	[smem:$0x3F83] =	sst s0  }
0x18: {  	s0 =	sld [smem:$0x3F66];
	_ =	swait.ge [sflag:s4], $0x0  }
0x19: {  	s7 =	sld [smem:$0x3F67]  }
0x1a: {  	s8 =	sadd.s32 $0xFFFFE003, lr  }
0x1b: {  	s9 =	sadd.s32 $0xFFFFFEF7, lr;
	s5 =	simm.s32 $0xFFFFFFFF;
	p2 =	slt.u32 s8, $0xFFFFF086  }
0x1c: {  	p1 =	slt.u32 s9, $0xF7A;
	s5 =	simm.s32 @!p2 $0x0  }
0x1d: {  	s5 =	simm.s32 @p1 $0x1;
	p0 =	seq.s32 s7, s2  }
0x1e: {  	s7 =	smul.u32 @!p0 $0xF7A, s2;
	p2 =	seq.s32 @!p0 s5, $0x0  }
0x1f: {  	s9 =	smul.u32 $0xF7A, s1;
	s8 =	simm.s32 @!p0 $0x1BF5;
	p2 =	por !p2, p0  }
0x20: {  	[sflag:s8] =	ssyncset.s32 @!p0 $0xFFFFF086;
	s6 =	sadd.s32 @!p0 s3, s7;
	s7 =	simm.s32 @!p0 $0x108  }
0x21: {  	s3 =	sadd.s32 s3, s9;
	s6 =	sadd.s32 @!p0 $0x88, s6;
	s7 =	simm.s32 @p2 $0x1082  }
0x22: {  	[simem:s7], [sflag:s8] =	dma.local @!p0 [hbm:s6], $0xF7A  }
0x23: {  	s9 =	sor.u32 $0xD0000000, s2;
	s6 =	simm.s32 $0x108;
	_ =	swait.ge @!p0 [sflag:s8], $0x0  }
0x24: {  	s3 =	sadd.s32 $0x88, s3;
	s6 =	simm.s32 @!p1 $0x1082;
	[sflag:s4] =	ssyncset.s32 $0xFFFFF086  }
0x25: {  	[simem:s6], [sflag:s4] =	dma.local [hbm:s3], $0xF7A  }
0x26: {  	[smem:$0x3F67] =	sst s1;
	(tag) =	ssettag s2;
	_ =	strace s9  }
0x27: {  	s1 =	sld [smem:$0x3F77]  }
0x28: {  	s2 =	sld [smem:$0x3F78]  }
0x29: {  	s4 =	sld [smem:$0x3F7A]  }
0x2a: {  	p0 =	seq.s32 s5, $0x0;
	s5 =	sld [smem:$0x3F7B]  }
0x2b: {  	s6 =	sld [smem:$0x3F7C]  }
0x2c: {  	s7 =	sld [smem:$0x3F7D]  }
0x2d: {  	s3 =	simm.s32 $0x108;
	s8 =	sld [smem:$0x3F7E]  }
0x2e: {  	s3 =	simm.s32 @!p0 $0x1082;
	s9 =	sld [smem:$0x3F7F]  }
0x2f: {  	lr =	sadd.s32 s0, s3;
	s0 =	sld [smem:$0x3F76]  }
0x30: {  	s3 =	sld [smem:$0x3F79]  }
0x31: {  	[smem:$0x3F82] =	sst s10  }
0x32: {  	s10 =	sld [smem:$0x3F80];
	_ =	sdelay $0x3  }
0x33: {  	p0 =	seq.s32 s10, $0x1;
	s10 =	sld [smem:$0x3F82];
	_ =	sdelay $0x3  }
0x34: {  	[smem:$0x3F82] =	sst s10  }
0x35: {  	s10 =	sld [smem:$0x3F81];
	_ =	sdelay $0x3  }
0x36: {  	p1 =	seq.s32 s10, $0x1;
	s10 =	sld [smem:$0x3F82];
	_ =	sdelay $0x3  }
0x37: {  	[smem:$0x3F82] =	sst s10  }
0x38: {  	s10 =	sld [smem:$0x3F83]  }
0x39: {  	_ = 	snop;
	(pc) =	sbr.ind lr, $3  }
0x3a: {  	_ = 	snop  }
0x3b: {  	_ = 	snop  }
0x3c: {  	p2 =	seq.s32 s10, $0x1;
	s10 =	sld [smem:$0x3F82]  }
0x3d: {  	_ =	shalt  }
0x3e: {  	_ =	shalt  }
0x3f: {  	_ =	shalt  }
0x40: {  	_ =	shalt  }
0x41: {  	_ =	shalt  }
0x42: {  	_ =	shalt  }
0x43: {  	_ =	shalt  }
0x44: {  	_ =	shalt  }
0x45: {  	_ =	shalt  }
0x46: {  	_ =	shalt  }
0x47: {  	_ =	shalt  }
0x48: {  	_ =	shalt  }
0x49: {  	_ =	shalt  }
0x4a: {  	_ =	shalt  }
0x4b: {  	_ =	shalt  }
0x4c: {  	_ =	shalt  }
0x4d: {  	_ =	shalt  }
0x4e: {  	_ =	shalt  }
0x4f: {  	_ =	shalt  }
0x50: {  	_ =	shalt  }
0x51: {  	_ =	shalt  }
0x52: {  	_ =	shalt  }
0x53: {  	_ =	shalt  }
0x54: {  	_ =	shalt  }
0x55: {  	_ =	shalt  }
0x56: {  	_ =	shalt  }
0x57: {  	_ =	shalt  }
0x58: {  	_ =	shalt  }
0x59: {  	_ =	shalt  }
0x5a: {  	_ =	shalt  }
0x5b: {  	_ =	shalt  }
0x5c: {  	_ =	shalt  }
0x5d: {  	_ =	shalt  }
0x5e: {  	_ =	shalt  }
0x5f: {  	_ =	shalt  }
0x60: {  	_ =	shalt  }
0x61: {  	_ =	shalt  }
0x62: {  	_ =	shalt  }
0x63: {  	_ =	shalt  }
0x64: {  	_ =	shalt  }
0x65: {  	_ =	shalt  }
0x66: {  	_ =	shalt  }
0x67: {  	_ =	shalt  }
0x68: {  	_ =	shalt  }
0x69: {  	_ =	shalt  }
0x6a: {  	_ =	shalt  }
0x6b: {  	_ =	shalt  }
0x6c: {  	_ =	shalt  }
0x6d: {  	_ =	shalt  }
0x6e: {  	_ =	shalt  }
0x6f: {  	_ =	shalt  }
0x70: {  	_ =	shalt  }
0x71: {  	_ =	shalt  }
0x72: {  	_ =	shalt  }
0x73: {  	_ =	shalt  }
0x74: {  	_ =	shalt  }
0x75: {  	_ =	shalt  }
0x76: {  	_ =	shalt  }
0x77: {  	_ =	shalt  }
0x78: {  	_ =	shalt  }
0x79: {  	_ =	shalt  }
0x7a: {  	_ =	shalt  }
0x7b: {  	_ =	shalt  }
0x7c: {  	_ =	shalt  }
0x7d: {  	_ =	shalt  }
0x7e: {  	_ =	shalt  }
0x7f: {  	_ =	shalt  }
0x80: {  	_ =	shalt  }
0x81: {  	_ =	shalt  }
0x82: {  	_ =	shalt  }
0x83: {  	_ =	shalt  }
0x84: {  	_ =	shalt  }
0x85: {  	_ =	shalt  }
0x86: {  	_ =	shalt  }
0x87: {  	_ =	shalt  }
.Lfunc_end0:
.L_simem_size_0:
called_computation.1_lowered:
.L_overlay_start_0:
0x88: {  	s2 =	sld [smem:$0x3FD9]  }
0x89: {  	s3 =	sld [smem:$0x3FFE];
	_ =	sdelay $0x1  }
0x8a: {  	s1 =	srdreg.scid  }
0x8b: {  	s0 =	sand.u32 $0x1, s1  }
0x8c: {  	s17 =	sshll.u32 s0, $0xA;
	s2 =	sadd.s32 s3, s2  }
0x8d: {  	s2 =	sadd.s32 s2, s17  }
0x8e: {  	[smem:$0x3F8E] =	sst s2  }
0x8f: {  	_ = 	snop  }
0x90: {  	(tm) =	ssettm $0x1  }
0x91: {  	s18 =	sld [smem:$0x3FFB];
	_ =	sdelay $0x3  }
0x92: {  	_ =	strace s18  }
0x93: {  	s2 =	sld [smem:$0x3FFC];
	_ =	sdelay $0x3  }
0x94: {  	_ =	strace s2  }
0x95: {  	s2 =	sld [smem:$0x3FFD];
	_ =	sdelay $0x3  }
0x96: {  	_ =	strace s2  }
0x97: {  	_ =	strace $0x8FFFFFFF  }
0x98: {  	s19 =	sld [smem:$0x3FDB];
	_ =	sdelay $0x1  }
0x99: {  	s20 =	simm.s32 $_scs_section_size  }
0x9a: {  	s4 =	simm.s32 $_size__tile_overlayer_lowered;
	s5 =	simm.s32 $_tile_overlayer_lowered  }
0x9b: {  	s6 =	simm.s32 $0x1BFF;
	s21 =	sshll.u32 s5, $0x1;
	s3 =	sadd.s32 s20, s19  }
0x9c: {  	s22 =	simm.s32 $0x0;
	s4 =	sshll.u32 s4, $0x1;
	s5 =	sadd.s32 s21, s3  }
0x9d: {  	[timem:s22], [sflag:s6] =	dma.local [hbm:s5], s4  }
0x9e: {  	_ =	swait.ge [sflag:s6], s4  }
0x9f: {  	s4 =	ssub.s32 $0x0, s4;
	[sflag:s6] =	ssyncset.done $0x0  }
0xa0: {  	[sflag:s6] =	ssyncadd.s32 s4;
	_ =	sdelay $0x1  }
0xa1: {  	s23 =	simm.s32 $0x1B8B  }
0xa2: {  	_ =	swait.ge [sflag:s23], $0x1  }
0xa3: {  	[sflag:s23] =	ssyncset.done $0x0  }
0xa4: {  	[sflag:s23] =	ssyncadd.s32 $0xFFFFFFFF  }
0xa5: {  	s4 =	sld [smem:$0x0]  }
0xa6: {  	s5 =	sand.u32 $0xFFFFFFFE, s1  }
0xa7: {  	p0 =	sne.s32 s1, s5  }
0xa8: {  	s5 =	sshll.u32 @p0 s5, $0xE  }
0xa9: {  	s5 =	sadd.s32 @p0 $0x11B8D, s5;
	s6 =	sshll.u32 @p0 s4, $0x11  }
0xaa: {  	s5 =	sor.u32 @p0 s6, s5  }
0xab: {  	[sflag:s5] =	ssyncadd.remote.s32 @p0 $0x1;
	_ =	sdelay $0x1  }
0xac: {  	s5 =	simm.s32 @p0 $0x1B8D  }
0xad: {  	_ =	swait.eq @p0 [sflag:s5], $0x1  }
0xae: {  	[sflag:s5] =	ssyncadd.s32 @p0 $0xFFFFFFFF  }
0xaf: {  	s6 =	sshll.u32 @!p0 s1, $0xE  }
0xb0: {  	s6 =	sor.u32 @!p0 $0x4000, s6;
	s5 =	simm.s32 @!p0 $0x1B8D  }
0xb1: {  	s4 =	sshll.u32 @!p0 s4, $0x11;
	s6 =	sadd.s32 @!p0 $0x11B8D, s6;
	_ =	swait.eq @!p0 [sflag:s5], $0x1  }
0xb2: {  	s4 =	sor.u32 @!p0 s4, s6;
	[sflag:s5] =	ssyncadd.s32 @!p0 $0xFFFFFFFF  }
0xb3: {  	s25 =	simm.s32 $0x1B8E;
	s24 =	sld [smem:$0x3FFE];
	[sflag:s4] =	ssyncadd.remote.s32 @!p0 $0x1  }
0xb4: {  	s26 =	simm.s32 $execute0_lowered;
	[smem:$0x3FD2] =	sst s25  }
0xb5: {  	s5 =	sshll.u32 s26, $0x1;
	_ =	strace $0x8000004F;
	[dreg:$0x1] =	wrdreg $0xFFFFFFFF  }
0xb6: {  	s28 =	simm.s32 $_size_execute0_lowered;
	s3 =	sadd.s32 s3, s5;
	[dreg:$0x0] =	wrdreg $0x0  }
0xb7: {  	s5 =	sshll.u32 s28, $0x1;
	[dreg:$0x2] =	wrdreg s3  }
0xb8: {  	[dreg:$0x3] =	wrdreg s5  }
0xb9: {  	[dreg:$0x4] =	wrdreg $0xC0  }
0xba: {  	_ =	task [dreg:s22], $0x5FFFF  }
0xbb: {  	[dreg:$0x1] =	wrdreg $0xFFFFFFFF  }
0xbc: {  	[dreg:$0x0] =	wrdreg $0x60  }
0xbd: {  	[dreg:$0x2] =	wrdreg s24  }
0xbe: {  	[dreg:$0x3] =	wrdreg $0x9  }
0xbf: {  	_ =	task.clear_ibuf [dreg:s22], $0x4FFFF;
	_ =	strace $0x9000004F  }
0xc0: {  	s29 =	simm.s32 $0x9;
	_ =	strace $0x80000051  }
0xc1: {  	_ =	swait.ge [sflag:s29], $0x1  }
0xc2: {  	[sflag:s29] =	ssyncadd.s32 $0xFFFFFFFF  }
0xc3: {  	_ =	strace $0x90000051  }
0xc4: {  	_ =	sfence  }
0xc5: {  	s30 =	sld [smem:$0x0];
	_ =	sdelay $0x2  }
0xc6: {  	s31 =	sshll.u32 s1, $0xD;
	s1 =	sshrl.u32 s1, $0x2  }
0xc7: {  	s4 =	sand.u32 $0x4000, s31;
	s1 =	sadd.s32 s1, s30  }
0xc8: {  	s0 =	sor.u32 s4, s0;
	s1 =	sshll.u32 s1, $0x11  }
0xc9: {  	s0 =	sor.u32 s1, s0  }
0xca: {  	s0 =	sadd.s32 $0x8F2B, s0  }
0xcb: {  	[sflag:s0] =	ssyncadd.remote.s32 $0x1  }
0xcc: {  	_ =	sfence.sel $0xFFFF  }
0xcd: {  	[dreg:$0x0] =	wrdreg $0xFFFFFFFF;
	(pc) =	sbr.abs _section_cstart, $3  }
0xce: {  	[dreg:$0x1] =	wrdreg $0xFFFFFFFF  }
0xcf: {  	_ =	task.clear_ibuf [dreg:s22], $0x2FFFF;
	_ =	strace $0x9FFFFFFF  }
0xd0: {  	(tm) =	ssettm $0x7FFFFFFF  }
0xd1: {  	_ =	shalt  }
tec
execute0_lowered:
.L_overlay_start_1:
0x0: {  	(tag) =	ssettag $0x1  }
0x1: {  	s5 =	rddreg [dreg:$0x0]  }
0x2: {  	s0 =	rddreg [dreg:$0x1];
	s2 =	simm.s32 $0x0;
	s3 =	srdreg.scid  }
0x3: {  	s1 =	stileid.u32;
	s11 =	simm.s32 $0x1000;
	s12 =	simm.s32 $0x2F80  }
0x4: {  	s13 =	simm.s32 $0x4F00;
	s6 =	sand.u32 $0x1, s3;
	s4 =	sshll.u32 s1, $0x1  }
0x5: {  	s14 =	simm.s32 $0x7680;
	s15 =	simm.s32 $0x0;
	s7 =	sor.u32 s6, s4  }
0x6: {  	s3 =	sadd.s32 $0x787E00, s5;
	s9 =	sadd.s32 $0x15E00, s5;
	s8 =	smul.u32 $0x4E20, s7  }
0x7: {  	s4 =	sadd.s32 $0x2AAE00, s5;
	s6 =	ssub.s32 $0x2, s6;
	s5 =	smul.u32 $0x4E200, s7  }
0x8: {  	[smem:$0x7FF] =	sst s2;
	s10 =	sshrl.u32 s6, $0x1;
	s7 =	smul.u32 $0x9C4, s7  }
0x9: {  	_ =	strace $0x80000050;
	s10 =	ssub.s32 s6, s10;
	s8 =	sshrl.u32 s8, $0x3  }
0xa: {  	s6 =	sadd.s32 $0x27100, s5;
	s7 =	sadd.s32 s9, s7;
	s8 =	sadd.s32 s9, s8  }
0xb: {  	v0 =	vimm.f32 $0.0e+00;
	s9 =	smax.u32 s10, $0x1;
	s10 =	simm.s32 $0x1;
	s8 =	sadd.s32 $0x4E2, s8  }
.LBB2_1:
0xc: {  	s16 =	simm.s32 $0x40;
	s17 =	simm.s32 $0x0  }
.LBB2_2:
0xd: {  	p0 =	sne.s32 s16, $0x9C00;
	[tilespmem:s17+$0x4F00] =	vst v0;
	s18 =	smov.u32 s16;
	s16 =	sadd.s32 $0x40, s16  }
.Ltmp0:
0xe: {  	[tilespmem:s17+$0x7680] =	vst v0;
	(pc) =	sbr.rel @p0 .LBB2_2-.Ltmp0, $2  }
0xf: {  	_ =	sdelay $0x2  }
0x10: {  	s17 =	sshra.s32 s18, $0x2  }
0x11: {  	[tilespmem:s17+$0x4F00] =	vst v0  }
0x12: {  	s16 =	simm.s32 $0x0;
	[tilespmem:s17+$0x7680] =	vst v0;
	s17 =	simm.s32 $0x0  }
.LBB2_4:
0x13: {  	s18 =	smul.u32 $0x1F4, s17;
	_ =	sdelay $0x1  }
0x14: {  	s19 =	smul.u32 $0x1F40, s17;
	s18 =	sadd.s32 s4, s18  }
0x15: {  	[tilespmem:s16], [sflag:$0x1] =	stream.linear.gather [hbm4b:s18+s16], $0xFA0, $0x38;
	[tilespmem:$0x9E00] =	vst v63  }
0x16: {  	s30 =	sadd.s32 s5, s19;
	_ =	swait.ge [sflag:s10], $0xFA0  }
0x17: {  	s18 =	sshrl.u32 s30, $0x3;
	[sflag:s10] =	ssyncset.done $0x0  }
0x18: {  	s18 =	sadd.s32 s3, s18;
	[sflag:s10] =	ssyncadd.s32 $0xFFFFF060  }
0x19: {  	[tilespmem:s11], [sflag:$0x1] =	stream.linear.gather [hbm4b:s18+s16], $0x1F40, $0x38;
	[tilespmem:$0x9E00] =	vst v63  }
0x1a: {  	s31 =	sadd.s32 s6, s19;
	_ =	swait.ge [sflag:s10], $0x1F40  }
0x1b: {  	s18 =	sshrl.u32 s31, $0x3;
	[sflag:s10] =	ssyncset.done $0x0  }
0x1c: {  	s18 =	sadd.s32 s3, s18;
	[sflag:s10] =	ssyncadd.s32 $0xFFFFE0C0  }
0x1d: {  	[tilespmem:s12], [sflag:$0x1] =	stream.linear.gather [hbm4b:s18+s16], $0x1F40, $0x38;
	[tilespmem:$0x9E00] =	vst v63  }
0x1e: {  	_ =	swait.ge [sflag:s10], $0x1F40  }
0x1f: {  	[sflag:s10] =	ssyncset.done $0x0  }
0x20: {  	s19 =	simm.s32 $0x40;
	s18 =	simm.s32 $0x0;
	[sflag:s10] =	ssyncadd.s32 $0xFFFFE0C0  }
.LBB2_5:
0x21: {  	p0 =	sne.s32 s19, $0x3E40;
	v1 =	vld [tilespmem:s18+$0x0]  }
0x22: {  	v2 =	vld [tilespmem:s18+$0x1000];
	_ =	sdelay $0x3  }
0x23: {  	v3 =	vand.u32 $0xFFFF, v1;
	_ =	sdelay $0x4  }
0x24: {  	[tilespmem:v3+s13+$0x0] =	vst.idx.add.f32.msk $0xffff, v2  }
0x25: {  	v2 =	vld [tilespmem:s18+$0x2F80];
	_ =	sdelay $0x4  }
0x26: {  	[tilespmem:v3+s14+$0x0] =	vst.idx.add.f32.msk $0xffff, v2  }
0x27: {  	v1 =	vshra.s32 v1, $0x10;
	v2 =	vld [tilespmem:s18+$0x1FA0];
	_ =	sdelay $0x4  }
0x28: {  	[tilespmem:v1+s13+$0x0] =	vst.idx.add.f32.msk $0xffff, v2  }
0x29: {  	v2 =	vld [tilespmem:s18+$0x3F20]  }
.Ltmp1:
0x2a: {  	(pc) =	sbr.rel @p0 .LBB2_5-.Ltmp1, $2  }
0x2b: {  	_ =	sdelay $0x2  }
0x2c: {  	s18 =	sshra.s32 s19, $0x2;
	s19 =	sadd.s32 $0x40, s19;
	[tilespmem:v1+s14+$0x0] =	vst.idx.add.f32.msk $0xffff, v2  }
0x2d: {  	v1 =	vld [tilespmem:s18+$0x0];
	_ =	sdelay $0x4  }
0x2e: {  	v2 =	vld [tilespmem:s18+$0x1000];
	v3 =	vand.u32 $0xFFFF, v1;
	_ =	sdelay $0x4  }
0x2f: {  	[tilespmem:v3+s13+$0x0] =	vst.idx.add.f32.msk $0xffff, v2  }
0x30: {  	v2 =	vld [tilespmem:s18+$0x2F80];
	_ =	sdelay $0x4  }
0x31: {  	[tilespmem:v3+s14+$0x0] =	vst.idx.add.f32.msk $0xffff, v2  }
0x32: {  	v1 =	vshra.s32 v1, $0x10;
	v2 =	vld [tilespmem:s18+$0x1FA0];
	_ =	sdelay $0x4  }
0x33: {  	s17 =	sadd.s32 $0x1, s17;
	[tilespmem:v1+s13+$0x0] =	vst.idx.add.f32.msk $0xffff, v2  }
0x34: {  	p0 =	sne.s32 s17, $0x14;
	v2 =	vld [tilespmem:s18+$0x3F20]  }
.Ltmp2:
0x35: {  	_ = 	snop;
	(pc) =	sbr.rel @p0 .LBB2_4-.Ltmp2, $2  }
0x36: {  	_ =	sdelay $0x2  }
0x37: {  	[tilespmem:v1+s14+$0x0] =	vst.idx.add.f32.msk $0xffff, v2  }
0x38: {  	[hbm4b:s7+s2] =	stream.linear.scatter [tilespmem:s13], [sflag:$0x1], $0x2710, $0x38;
	[tilespmem:$0x9E00] =	vst v63  }
0x39: {  	s15 =	sadd.s32 $0x1, s15;
	_ =	swait.ge [sflag:s10], $0x2710  }
0x3a: {  	p0 =	sne.s32 s15, s9;
	[sflag:s10] =	ssyncset.done $0x0  }
.Ltmp3:
0x3b: {  	[sflag:s10] =	ssyncadd.s32 $0xFFFFD8F0;
	(pc) =	sbr.rel @p0 .LBB2_1-.Ltmp3, $4  }
0x3c: {  	[hbm4b:s8+s2] =	stream.linear.scatter [tilespmem:s14], [sflag:$0x1], $0x2710, $0x38;
	[tilespmem:$0x9E00] =	vst v63  }
0x3d: {  	_ =	swait.ge [sflag:s10], $0x2710  }
0x3e: {  	[sflag:s10] =	ssyncset.done $0x0  }
0x3f: {  	[sflag:s10] =	ssyncadd.s32 $0xFFFFD8F0  }
0x40: {  	_ =	sfence.sel $0x180000  }
0x41: {  	[bflag:$0x0] =	sbarrier.arrive $0xFFFF  }
0x42: {  	p0 =	sne.s32 s1, $0x0;
	_ =	strace $0x90000050  }
0x43: {  	s0 =	sadd.s32 @!p0 $0x100000, s0;
	[bflag:$0x2] =	sbarrier.arrive $0xFFFF  }
0x44: {  	[sflag:s0] =	ssyncadd.tile.s32 @!p0 $0x1;
	_ =	shalt  }
.Lfunc_end2:
_tile_overlayer_lowered:
.L_overlay_start_2:
0x45: {  	(tag) =	ssettag $0x2  }
0x46: {  	s0 =	rddreg [dreg:$0x0];
	s2 =	stileid.u32  }
0x47: {  	s1 =	rddreg [dreg:$0x1];
	p0 =	sne.s32 s2, $0x0  }
0x48: {  	s3 =	rddreg [dreg:$0x2];
	[bflag:$0x3] =	sbarrier.arrive $0xFFFF;
	s2 =	simm.s32 @!p0 $0x1C01  }
0x49: {  	[timem:s3], [sflag:s2] =	dma.local @!p0 [hbm:s0], s1  }
0x4a: {  	s0 =	simm.s32 @!p0 $0x1  }
0x4b: {  	_ =	swait.ge @!p0 [sflag:s0], s1  }
0x4c: {  	s1 =	ssub.s32 @!p0 $0x0, s1;
	[sflag:s0] =	ssyncset.done @!p0 $0x0  }
0x4d: {  	[sflag:s0] =	ssyncadd.s32 @!p0 s1  }
0x4e: {  	[bflag:$0x3] =	sbarrier.arrive $0xFFFF  }
0x4f: {  	_ =	shalt  }

// kernel: closed_call.42.cloned.1.call-start
scs
__scs_entry_jumppad:
0x0: {  	(pc) =	sbr.rel $0x88, $3  }
0x1: {  	(tag) =	ssettag $0x0;
	lr =	simm.s32 $0x1  }
0x2: {  	[smem:$0x3F67] =	sst lr;
	_ =	strace $0xD0000000  }
0x3: {  	_ = 	snop  }
0x4: {  	_ = 	snop  }
0x5: {  	_ = 	snop  }
0x6: {  	_ = 	snop  }
0x7: {  	_ = 	snop  }
__scs_overlays_trampoline_lowered:
0x8: {  	[smem:$0x3F76] =	sst s0  }
0x9: {  	[smem:$0x3F77] =	sst s1  }
0xa: {  	[smem:$0x3F78] =	sst s2  }
0xb: {  	[smem:$0x3F79] =	sst s3  }
0xc: {  	[smem:$0x3F7A] =	sst s4  }
0xd: {  	[smem:$0x3F7B] =	sst s5  }
0xe: {  	[smem:$0x3F7C] =	sst s6  }
0xf: {  	[smem:$0x3F7D] =	sst s7  }
0x10: {  	[smem:$0x3F7E] =	sst s8  }
0x11: {  	[smem:$0x3F7F] =	sst s9;
	s0 =	simm.s32 @!p0 $0x0  }
0x12: {  	s1 =	sld [smem:$0x3F65];
	s0 =	simm.s32 @p0 $0x1  }
0x13: {  	[smem:$0x3F80] =	sst s0;
	s0 =	simm.s32 @!p1 $0x0  }
0x14: {  	s2 =	sld [smem:$0x3F64];
	s0 =	simm.s32 @p1 $0x1  }
0x15: {  	[smem:$0x3F81] =	sst s0;
	s0 =	simm.s32 @!p2 $0x0  }
0x16: {  	s3 =	sld [smem:$0x3FDB];
	s0 =	simm.s32 @p2 $0x1  }
0x17: {  	s4 =	simm.s32 $0x1BF5;
	[smem:$0x3F83] =	sst s0  }
0x18: {  	s0 =	sld [smem:$0x3F66];
	_ =	swait.ge [sflag:s4], $0x0  }
0x19: {  	s7 =	sld [smem:$0x3F67]  }
0x1a: {  	s8 =	sadd.s32 $0xFFFFE003, lr  }
0x1b: {  	s9 =	sadd.s32 $0xFFFFFEF7, lr;
	s5 =	simm.s32 $0xFFFFFFFF;
	p2 =	slt.u32 s8, $0xFFFFF086  }
0x1c: {  	p1 =	slt.u32 s9, $0xF7A;
	s5 =	simm.s32 @!p2 $0x0  }
0x1d: {  	s5 =	simm.s32 @p1 $0x1;
	p0 =	seq.s32 s7, s2  }
0x1e: {  	s7 =	smul.u32 @!p0 $0xF7A, s2;
	p2 =	seq.s32 @!p0 s5, $0x0  }
0x1f: {  	s9 =	smul.u32 $0xF7A, s1;
	s8 =	simm.s32 @!p0 $0x1BF5;
	p2 =	por !p2, p0  }
0x20: {  	[sflag:s8] =	ssyncset.s32 @!p0 $0xFFFFF086;
	s6 =	sadd.s32 @!p0 s3, s7;
	s7 =	simm.s32 @!p0 $0x108  }
0x21: {  	s3 =	sadd.s32 s3, s9;
	s6 =	sadd.s32 @!p0 $0x88, s6;
	s7 =	simm.s32 @p2 $0x1082  }
0x22: {  	[simem:s7], [sflag:s8] =	dma.local @!p0 [hbm:s6], $0xF7A  }
0x23: {  	s9 =	sor.u32 $0xD0000000, s2;
	s6 =	simm.s32 $0x108;
	_ =	swait.ge @!p0 [sflag:s8], $0x0  }
0x24: {  	s3 =	sadd.s32 $0x88, s3;
	s6 =	simm.s32 @!p1 $0x1082;
	[sflag:s4] =	ssyncset.s32 $0xFFFFF086  }
0x25: {  	[simem:s6], [sflag:s4] =	dma.local [hbm:s3], $0xF7A  }
0x26: {  	[smem:$0x3F67] =	sst s1;
	(tag) =	ssettag s2;
	_ =	strace s9  }
0x27: {  	s1 =	sld [smem:$0x3F77]  }
0x28: {  	s2 =	sld [smem:$0x3F78]  }
0x29: {  	s4 =	sld [smem:$0x3F7A]  }
0x2a: {  	p0 =	seq.s32 s5, $0x0;
	s5 =	sld [smem:$0x3F7B]  }
0x2b: {  	s6 =	sld [smem:$0x3F7C]  }
0x2c: {  	s7 =	sld [smem:$0x3F7D]  }
0x2d: {  	s3 =	simm.s32 $0x108;
	s8 =	sld [smem:$0x3F7E]  }
0x2e: {  	s3 =	simm.s32 @!p0 $0x1082;
	s9 =	sld [smem:$0x3F7F]  }
0x2f: {  	lr =	sadd.s32 s0, s3;
	s0 =	sld [smem:$0x3F76]  }
0x30: {  	s3 =	sld [smem:$0x3F79]  }
0x31: {  	[smem:$0x3F82] =	sst s10  }
0x32: {  	s10 =	sld [smem:$0x3F80];
	_ =	sdelay $0x3  }
0x33: {  	p0 =	seq.s32 s10, $0x1;
	s10 =	sld [smem:$0x3F82];
	_ =	sdelay $0x3  }
0x34: {  	[smem:$0x3F82] =	sst s10  }
0x35: {  	s10 =	sld [smem:$0x3F81];
	_ =	sdelay $0x3  }
0x36: {  	p1 =	seq.s32 s10, $0x1;
	s10 =	sld [smem:$0x3F82];
	_ =	sdelay $0x3  }
0x37: {  	[smem:$0x3F82] =	sst s10  }
0x38: {  	s10 =	sld [smem:$0x3F83]  }
0x39: {  	_ = 	snop;
	(pc) =	sbr.ind lr, $3  }
0x3a: {  	_ = 	snop  }
0x3b: {  	_ = 	snop  }
0x3c: {  	p2 =	seq.s32 s10, $0x1;
	s10 =	sld [smem:$0x3F82]  }
0x3d: {  	_ =	shalt  }
0x3e: {  	_ =	shalt  }
0x3f: {  	_ =	shalt  }
0x40: {  	_ =	shalt  }
0x41: {  	_ =	shalt  }
0x42: {  	_ =	shalt  }
0x43: {  	_ =	shalt  }
0x44: {  	_ =	shalt  }
0x45: {  	_ =	shalt  }
0x46: {  	_ =	shalt  }
0x47: {  	_ =	shalt  }
0x48: {  	_ =	shalt  }
0x49: {  	_ =	shalt  }
0x4a: {  	_ =	shalt  }
0x4b: {  	_ =	shalt  }
0x4c: {  	_ =	shalt  }
0x4d: {  	_ =	shalt  }
0x4e: {  	_ =	shalt  }
0x4f: {  	_ =	shalt  }
0x50: {  	_ =	shalt  }
0x51: {  	_ =	shalt  }
0x52: {  	_ =	shalt  }
0x53: {  	_ =	shalt  }
0x54: {  	_ =	shalt  }
0x55: {  	_ =	shalt  }
0x56: {  	_ =	shalt  }
0x57: {  	_ =	shalt  }
0x58: {  	_ =	shalt  }
0x59: {  	_ =	shalt  }
0x5a: {  	_ =	shalt  }
0x5b: {  	_ =	shalt  }
0x5c: {  	_ =	shalt  }
0x5d: {  	_ =	shalt  }
0x5e: {  	_ =	shalt  }
0x5f: {  	_ =	shalt  }
0x60: {  	_ =	shalt  }
0x61: {  	_ =	shalt  }
0x62: {  	_ =	shalt  }
0x63: {  	_ =	shalt  }
0x64: {  	_ =	shalt  }
0x65: {  	_ =	shalt  }
0x66: {  	_ =	shalt  }
0x67: {  	_ =	shalt  }
0x68: {  	_ =	shalt  }
0x69: {  	_ =	shalt  }
0x6a: {  	_ =	shalt  }
0x6b: {  	_ =	shalt  }
0x6c: {  	_ =	shalt  }
0x6d: {  	_ =	shalt  }
0x6e: {  	_ =	shalt  }
0x6f: {  	_ =	shalt  }
0x70: {  	_ =	shalt  }
0x71: {  	_ =	shalt  }
0x72: {  	_ =	shalt  }
0x73: {  	_ =	shalt  }
0x74: {  	_ =	shalt  }
0x75: {  	_ =	shalt  }
0x76: {  	_ =	shalt  }
0x77: {  	_ =	shalt  }
0x78: {  	_ =	shalt  }
0x79: {  	_ =	shalt  }
0x7a: {  	_ =	shalt  }
0x7b: {  	_ =	shalt  }
0x7c: {  	_ =	shalt  }
0x7d: {  	_ =	shalt  }
0x7e: {  	_ =	shalt  }
0x7f: {  	_ =	shalt  }
0x80: {  	_ =	shalt  }
0x81: {  	_ =	shalt  }
0x82: {  	_ =	shalt  }
0x83: {  	_ =	shalt  }
0x84: {  	_ =	shalt  }
0x85: {  	_ =	shalt  }
0x86: {  	_ =	shalt  }
0x87: {  	_ =	shalt  }
.Lfunc_end0:
.L_simem_size_0:
called_computation.2_lowered:
.L_overlay_start_0:
0x88: {  	s2 =	sld [smem:$0x3FD9]  }
0x89: {  	s3 =	sld [smem:$0x3FFE];
	_ =	sdelay $0x1  }
0x8a: {  	s1 =	srdreg.scid  }
0x8b: {  	s0 =	sand.u32 $0x1, s1  }
0x8c: {  	s17 =	sshll.u32 s0, $0xA;
	s2 =	sadd.s32 s3, s2  }
0x8d: {  	s2 =	sadd.s32 s2, s17  }
0x8e: {  	[smem:$0x3F8E] =	sst s2  }
0x8f: {  	_ = 	snop  }
0x90: {  	(tm) =	ssettm $0x1  }
0x91: {  	s18 =	sld [smem:$0x3FFB];
	_ =	sdelay $0x3  }
0x92: {  	_ =	strace s18  }
0x93: {  	s2 =	sld [smem:$0x3FFC];
	_ =	sdelay $0x3  }
0x94: {  	_ =	strace s2  }
0x95: {  	s2 =	sld [smem:$0x3FFD];
	_ =	sdelay $0x3  }
0x96: {  	_ =	strace s2  }
0x97: {  	_ =	strace $0x8FFFFFFF  }
0x98: {  	s19 =	sld [smem:$0x3FDB];
	_ =	sdelay $0x1  }
0x99: {  	s20 =	simm.s32 $_scs_section_size  }
0x9a: {  	s4 =	simm.s32 $_size__tile_overlayer_lowered;
	s5 =	simm.s32 $_tile_overlayer_lowered  }
0x9b: {  	s6 =	simm.s32 $0x1BFF;
	s21 =	sshll.u32 s5, $0x1;
	s3 =	sadd.s32 s20, s19  }
0x9c: {  	s22 =	simm.s32 $0x0;
	s4 =	sshll.u32 s4, $0x1;
	s5 =	sadd.s32 s21, s3  }
0x9d: {  	[timem:s22], [sflag:s6] =	dma.local [hbm:s5], s4  }
0x9e: {  	_ =	swait.ge [sflag:s6], s4  }
0x9f: {  	s4 =	ssub.s32 $0x0, s4;
	[sflag:s6] =	ssyncset.done $0x0  }
0xa0: {  	[sflag:s6] =	ssyncadd.s32 s4;
	_ =	sdelay $0x1  }
0xa1: {  	s23 =	simm.s32 $0x1B8B  }
0xa2: {  	_ =	swait.ge [sflag:s23], $0x1  }
0xa3: {  	[sflag:s23] =	ssyncset.done $0x0  }
0xa4: {  	[sflag:s23] =	ssyncadd.s32 $0xFFFFFFFF  }
0xa5: {  	s4 =	sld [smem:$0x0]  }
0xa6: {  	s5 =	sand.u32 $0xFFFFFFFE, s1  }
0xa7: {  	p0 =	sne.s32 s1, s5  }
0xa8: {  	s5 =	sshll.u32 @p0 s5, $0xE  }
0xa9: {  	s5 =	sadd.s32 @p0 $0x11B8D, s5;
	s6 =	sshll.u32 @p0 s4, $0x11  }
0xaa: {  	s5 =	sor.u32 @p0 s6, s5  }
0xab: {  	[sflag:s5] =	ssyncadd.remote.s32 @p0 $0x1;
	_ =	sdelay $0x1  }
0xac: {  	s5 =	simm.s32 @p0 $0x1B8D  }
0xad: {  	_ =	swait.eq @p0 [sflag:s5], $0x1  }
0xae: {  	[sflag:s5] =	ssyncadd.s32 @p0 $0xFFFFFFFF  }
0xaf: {  	s6 =	sshll.u32 @!p0 s1, $0xE  }
0xb0: {  	s6 =	sor.u32 @!p0 $0x4000, s6;
	s5 =	simm.s32 @!p0 $0x1B8D  }
0xb1: {  	s4 =	sshll.u32 @!p0 s4, $0x11;
	s6 =	sadd.s32 @!p0 $0x11B8D, s6;
	_ =	swait.eq @!p0 [sflag:s5], $0x1  }
0xb2: {  	s4 =	sor.u32 @!p0 s4, s6;
	[sflag:s5] =	ssyncadd.s32 @!p0 $0xFFFFFFFF  }
0xb3: {  	s25 =	simm.s32 $0x1B8E;
	s24 =	sld [smem:$0x3FFE];
	[sflag:s4] =	ssyncadd.remote.s32 @!p0 $0x1  }
0xb4: {  	s26 =	simm.s32 $execute0_lowered;
	[smem:$0x3FD2] =	sst s25  }
0xb5: {  	s5 =	sshll.u32 s26, $0x1;
	_ =	strace $0x8000004C;
	[dreg:$0x1] =	wrdreg $0xFFFFFFFF  }
0xb6: {  	s28 =	simm.s32 $_size_execute0_lowered;
	s3 =	sadd.s32 s3, s5;
	[dreg:$0x0] =	wrdreg $0x0  }
0xb7: {  	s5 =	sshll.u32 s28, $0x1;
	[dreg:$0x2] =	wrdreg s3  }
0xb8: {  	[dreg:$0x3] =	wrdreg s5  }
0xb9: {  	[dreg:$0x4] =	wrdreg $0xC0  }
0xba: {  	_ =	task [dreg:s22], $0x5FFFF  }
0xbb: {  	[dreg:$0x1] =	wrdreg $0xFFFFFFFF  }
0xbc: {  	[dreg:$0x0] =	wrdreg $0x60  }
0xbd: {  	[dreg:$0x2] =	wrdreg s24  }
0xbe: {  	[dreg:$0x3] =	wrdreg $0xA  }
0xbf: {  	_ =	task.clear_ibuf [dreg:s22], $0x4FFFF;
	_ =	strace $0x9000004C  }
0xc0: {  	s29 =	simm.s32 $0xA;
	_ =	strace $0x8000004E  }
0xc1: {  	_ =	swait.ge [sflag:s29], $0x1  }
0xc2: {  	[sflag:s29] =	ssyncadd.s32 $0xFFFFFFFF  }
0xc3: {  	_ =	strace $0x9000004E  }
0xc4: {  	_ =	sfence  }
0xc5: {  	s30 =	sld [smem:$0x0];
	_ =	sdelay $0x2  }
0xc6: {  	s31 =	sshll.u32 s1, $0xD;
	s1 =	sshrl.u32 s1, $0x2  }
0xc7: {  	s4 =	sand.u32 $0x4000, s31;
	s1 =	sadd.s32 s1, s30  }
0xc8: {  	s0 =	sor.u32 s4, s0;
	s1 =	sshll.u32 s1, $0x11  }
0xc9: {  	s0 =	sor.u32 s1, s0  }
0xca: {  	s0 =	sadd.s32 $0x8F2B, s0  }
0xcb: {  	[sflag:s0] =	ssyncadd.remote.s32 $0x1  }
0xcc: {  	_ =	sfence.sel $0xFFFF  }
0xcd: {  	[dreg:$0x0] =	wrdreg $0xFFFFFFFF;
	(pc) =	sbr.abs _section_cstart, $3  }
0xce: {  	[dreg:$0x1] =	wrdreg $0xFFFFFFFF  }
0xcf: {  	_ =	task.clear_ibuf [dreg:s22], $0x2FFFF;
	_ =	strace $0x9FFFFFFF  }
0xd0: {  	(tm) =	ssettm $0x7FFFFFFF  }
0xd1: {  	_ =	shalt  }
tec
execute0_lowered:
.L_overlay_start_1:
0x0: {  	(tag) =	ssettag $0x1  }
0x1: {  	s5 =	rddreg [dreg:$0x0]  }
0x2: {  	s0 =	rddreg [dreg:$0x1]  }
0x3: {  	s2 =	simm.s32 $0x0;
	s3 =	srdreg.scid;
	s1 =	stileid.u32  }
0x4: {  	s11 =	simm.s32 $0x3E8;
	s12 =	simm.s32 $0x400;
	s7 =	smul.u32 $0x2710, s1  }
0x5: {  	s13 =	simm.s32 $0x1;
	s6 =	sand.u32 $0x1, s3;
	s9 =	smul.u32 $0x27100, s1  }
0x6: {  	s14 =	simm.s32 $0x0;
	s3 =	sadd.s32 $0x2D4800, s5;
	s8 =	smul.u32 $0x1388, s6  }
0x7: {  	[smem:$0x7FF] =	sst s2;
	s4 =	sadd.s32 $0x2FBA00, s5;
	s10 =	smul.u32 $0x13880, s6  }
0x8: {  	_ =	strace $0x8000004D;
	s6 =	ssub.s32 $0x2, s6;
	s29 =	sadd.s32 s9, s5  }
0x9: {  	s30 =	sshrl.u32 s6, $0x1;
	s7 =	sadd.s32 s8, s7;
	s8 =	sadd.s32 s10, s29  }
0xa: {  	s6 =	ssub.s32 s6, s30;
	s10 =	simm.s32 $0x2;
	s7 =	sshrl.u32 s7, $0x3  }
0xb: {  	s6 =	smax.u32 s6, $0x1;
	s31 =	sadd.s32 s7, s5;
	s5 =	sadd.s32 $0xC69E00, s8  }
0xc: {  	s7 =	sadd.s32 $0xEDAE00, s8;
	s8 =	sadd.s32 $0x29800, s31;
	s9 =	sadd.s32 $0xBE00, s31  }
.LBB2_1:
0xd: {  	s15 =	sadd.s32 $0x0, s9  }
0xe: {  	[tilespmem:s2], [sflag:$0x2] =	stream.linear.gather [hbm4b:s15+s2], $0x3E8, $0x38;
	[tilespmem:$0x1F800] =	vst v63  }
0xf: {  	_ =	swait.ge [sflag:s10], $0x3E8  }
0x10: {  	[sflag:s10] =	ssyncset.done $0x0  }
0x11: {  	[sflag:s10] =	ssyncadd.s32 $0xFFFFFC18  }
0x12: {  	[tilespmem:s12], [sflag:$0x1] =	stream.indirect.gather [hbm4b:s3+s11], $0x80, s2, s11, $0xb8;
	[tilespmem:$0x1F800] =	vst v63  }
0x13: {  	_ =	swait.ge [sflag:s13], $0x1F400  }
0x14: {  	[sflag:s13] =	ssyncset.done $0x0  }
0x15: {  	[sflag:s13] =	ssyncadd.s32 $0xFFFE0C00  }
0x16: {  	[hbm4b:s5+s2] =	stream.linear.scatter [tilespmem:s12], [sflag:$0x2], $0x1F400, $0x38;
	[tilespmem:$0x1F800] =	vst v63  }
0x17: {  	_ =	swait.ge [sflag:s10], $0x1F400  }
0x18: {  	[sflag:s10] =	ssyncset.done $0x0  }
0x19: {  	s31 =	sadd.s32 $0x0, s8;
	[sflag:s10] =	ssyncadd.s32 $0xFFFE0C00  }
0x1a: {  	[tilespmem:s2], [sflag:$0x2] =	stream.linear.gather [hbm4b:s31+s2], $0x3E8, $0x38;
	[tilespmem:$0x1F800] =	vst v63  }
0x1b: {  	_ =	swait.ge [sflag:s10], $0x3E8  }
0x1c: {  	[sflag:s10] =	ssyncset.done $0x0  }
0x1d: {  	[sflag:s10] =	ssyncadd.s32 $0xFFFFFC18  }
0x1e: {  	[tilespmem:s12], [sflag:$0x1] =	stream.indirect.gather [hbm4b:s4+s11], $0x80, s2, s11, $0xb8;
	[tilespmem:$0x1F800] =	vst v63  }
0x1f: {  	_ =	swait.ge [sflag:s13], $0x1F400  }
0x20: {  	[sflag:s13] =	ssyncset.done $0x0  }
0x21: {  	[sflag:s13] =	ssyncadd.s32 $0xFFFE0C00  }
0x22: {  	[hbm4b:s7+s2] =	stream.linear.scatter [tilespmem:s12], [sflag:$0x2], $0x1F400, $0x38;
	[tilespmem:$0x1F800] =	vst v63  }
0x23: {  	s16 =	simm.s32 $0x7D;
	s18 =	simm.s32 $0xFA;
	_ =	swait.ge [sflag:s10], $0x1F400  }
0x24: {  	s17 =	sadd.s32 $0x3E80, s5;
	s15 =	sadd.s32 $0x3E80, s7;
	[sflag:s10] =	ssyncset.done $0x0  }
.LBB2_2:
0x25: {  	s19 =	sadd.s32 s16, s9  }
0x26: {  	[sflag:s10] =	ssyncadd.s32 $0xFFFE0C00;
	s20 =	smov.u32 s18;
	s21 =	sadd.s32 $0x7D, s18  }
0x27: {  	[tilespmem:s2], [sflag:$0x2] =	stream.linear.gather [hbm4b:s19+s2], $0x3E8, $0x38;
	[tilespmem:$0x1F800] =	vst v63  }
0x28: {  	p0 =	sne.s32 s18, $0x1F4;
	_ =	swait.ge [sflag:s10], $0x3E8  }
0x29: {  	[sflag:s10] =	ssyncset.done $0x0  }
0x2a: {  	[sflag:s10] =	ssyncadd.s32 $0xFFFFFC18  }
0x2b: {  	[tilespmem:s12], [sflag:$0x1] =	stream.indirect.gather [hbm4b:s3+s11], $0x80, s2, s11, $0xb8;
	[tilespmem:$0x1F800] =	vst v63  }
0x2c: {  	_ =	swait.ge [sflag:s13], $0x1F400  }
0x2d: {  	[sflag:s13] =	ssyncset.done $0x0  }
0x2e: {  	[sflag:s13] =	ssyncadd.s32 $0xFFFE0C00  }
0x2f: {  	[hbm4b:s17+s2] =	stream.linear.scatter [tilespmem:s12], [sflag:$0x2], $0x1F400, $0x38;
	[tilespmem:$0x1F800] =	vst v63  }
0x30: {  	_ =	swait.ge [sflag:s10], $0x1F400  }
0x31: {  	[sflag:s10] =	ssyncset.done $0x0  }
0x32: {  	s18 =	sadd.s32 s16, s8;
	s16 =	smov.u32 s20;
	[sflag:s10] =	ssyncadd.s32 $0xFFFE0C00  }
0x33: {  	[tilespmem:s2], [sflag:$0x2] =	stream.linear.gather [hbm4b:s18+s2], $0x3E8, $0x38;
	[tilespmem:$0x1F800] =	vst v63  }
0x34: {  	_ =	swait.ge [sflag:s10], $0x3E8  }
0x35: {  	[sflag:s10] =	ssyncset.done $0x0  }
0x36: {  	[sflag:s10] =	ssyncadd.s32 $0xFFFFFC18  }
0x37: {  	[tilespmem:s12], [sflag:$0x1] =	stream.indirect.gather [hbm4b:s4+s11], $0x80, s2, s11, $0xb8;
	[tilespmem:$0x1F800] =	vst v63  }
0x38: {  	_ =	swait.ge [sflag:s13], $0x1F400  }
.Ltmp0:
0x39: {  	[sflag:s13] =	ssyncset.done $0x0;
	(pc) =	sbr.rel @p0 .LBB2_2-.Ltmp0, $4  }
0x3a: {  	[sflag:s13] =	ssyncadd.s32 $0xFFFE0C00  }
0x3b: {  	[hbm4b:s15+s2] =	stream.linear.scatter [tilespmem:s12], [sflag:$0x2], $0x1F400, $0x38;
	[tilespmem:$0x1F800] =	vst v63  }
0x3c: {  	s17 =	sadd.s32 $0x3E80, s17;
	_ =	swait.ge [sflag:s10], $0x1F400  }
0x3d: {  	s18 =	smov.u32 s21;
	s15 =	sadd.s32 $0x3E80, s15;
	[sflag:s10] =	ssyncset.done $0x0  }
0x3e: {  	s18 =	sadd.s32 s16, s9;
	[sflag:s10] =	ssyncadd.s32 $0xFFFE0C00  }
0x3f: {  	[tilespmem:s2], [sflag:$0x2] =	stream.linear.gather [hbm4b:s18+s2], $0x3E8, $0x38;
	[tilespmem:$0x1F800] =	vst v63  }
0x40: {  	_ =	swait.ge [sflag:s10], $0x3E8  }
0x41: {  	[sflag:s10] =	ssyncset.done $0x0  }
0x42: {  	[sflag:s10] =	ssyncadd.s32 $0xFFFFFC18  }
0x43: {  	[tilespmem:s12], [sflag:$0x1] =	stream.indirect.gather [hbm4b:s3+s11], $0x80, s2, s11, $0xb8;
	[tilespmem:$0x1F800] =	vst v63  }
0x44: {  	_ =	swait.ge [sflag:s13], $0x1F400  }
0x45: {  	[sflag:s13] =	ssyncset.done $0x0  }
0x46: {  	[sflag:s13] =	ssyncadd.s32 $0xFFFE0C00  }
0x47: {  	[hbm4b:s17+s2] =	stream.linear.scatter [tilespmem:s12], [sflag:$0x2], $0x1F400, $0x38;
	[tilespmem:$0x1F800] =	vst v63  }
0x48: {  	_ =	swait.ge [sflag:s10], $0x1F400  }
0x49: {  	[sflag:s10] =	ssyncset.done $0x0  }
0x4a: {  	s31 =	sadd.s32 s16, s8;
	[sflag:s10] =	ssyncadd.s32 $0xFFFE0C00  }
0x4b: {  	[tilespmem:s2], [sflag:$0x2] =	stream.linear.gather [hbm4b:s31+s2], $0x3E8, $0x38;
	[tilespmem:$0x1F800] =	vst v63  }
0x4c: {  	_ =	swait.ge [sflag:s10], $0x3E8  }
0x4d: {  	[sflag:s10] =	ssyncset.done $0x0  }
0x4e: {  	[sflag:s10] =	ssyncadd.s32 $0xFFFFFC18  }
0x4f: {  	[tilespmem:s12], [sflag:$0x1] =	stream.indirect.gather [hbm4b:s4+s11], $0x80, s2, s11, $0xb8;
	[tilespmem:$0x1F800] =	vst v63  }
0x50: {  	s14 =	sadd.s32 $0x1, s14;
	_ =	swait.ge [sflag:s13], $0x1F400  }
0x51: {  	p0 =	sne.s32 s14, s6;
	[sflag:s13] =	ssyncset.done $0x0  }
.Ltmp1:
0x52: {  	[sflag:s13] =	ssyncadd.s32 $0xFFFE0C00;
	(pc) =	sbr.rel @p0 .LBB2_1-.Ltmp1, $4  }
0x53: {  	[hbm4b:s15+s2] =	stream.linear.scatter [tilespmem:s12], [sflag:$0x2], $0x1F400, $0x38;
	[tilespmem:$0x1F800] =	vst v63  }
0x54: {  	_ =	swait.ge [sflag:s10], $0x1F400  }
0x55: {  	[sflag:s10] =	ssyncset.done $0x0  }
0x56: {  	[sflag:s10] =	ssyncadd.s32 $0xFFFE0C00  }
0x57: {  	_ =	sfence.sel $0x180000  }
0x58: {  	[bflag:$0x0] =	sbarrier.arrive $0xFFFF  }
0x59: {  	p0 =	sne.s32 s1, $0x0;
	_ =	strace $0x9000004D  }
0x5a: {  	s0 =	sadd.s32 @!p0 $0x100000, s0;
	[bflag:$0x2] =	sbarrier.arrive $0xFFFF  }
0x5b: {  	[sflag:s0] =	ssyncadd.tile.s32 @!p0 $0x1;
	_ =	shalt  }
.Lfunc_end2:
_tile_overlayer_lowered:
.L_overlay_start_2:
0x5c: {  	(tag) =	ssettag $0x2  }
0x5d: {  	s0 =	rddreg [dreg:$0x0];
	s2 =	stileid.u32  }
0x5e: {  	s1 =	rddreg [dreg:$0x1];
	p0 =	sne.s32 s2, $0x0  }
0x5f: {  	s3 =	rddreg [dreg:$0x2];
	[bflag:$0x3] =	sbarrier.arrive $0xFFFF;
	s2 =	simm.s32 @!p0 $0x1C02  }
0x60: {  	[timem:s3], [sflag:s2] =	dma.local @!p0 [hbm:s0], s1  }
0x61: {  	s0 =	simm.s32 @!p0 $0x2  }
0x62: {  	_ =	swait.ge @!p0 [sflag:s0], s1  }
0x63: {  	s1 =	ssub.s32 @!p0 $0x0, s1;
	[sflag:s0] =	ssyncset.done @!p0 $0x0  }
0x64: {  	[sflag:s0] =	ssyncadd.s32 @!p0 s1  }
0x65: {  	[bflag:$0x3] =	sbarrier.arrive $0xFFFF  }
0x66: {  	_ =	shalt  }

// kernel: closed_call.45.cloned.1.call-start
scs
__scs_entry_jumppad:
0x0: {  	(pc) =	sbr.rel $0x88, $3  }
0x1: {  	(tag) =	ssettag $0x0;
	lr =	simm.s32 $0x1  }
0x2: {  	[smem:$0x3F67] =	sst lr;
	_ =	strace $0xD0000000  }
0x3: {  	_ = 	snop  }
0x4: {  	_ = 	snop  }
0x5: {  	_ = 	snop  }
0x6: {  	_ = 	snop  }
0x7: {  	_ = 	snop  }
__scs_overlays_trampoline_lowered:
0x8: {  	[smem:$0x3F76] =	sst s0  }
0x9: {  	[smem:$0x3F77] =	sst s1  }
0xa: {  	[smem:$0x3F78] =	sst s2  }
0xb: {  	[smem:$0x3F79] =	sst s3  }
0xc: {  	[smem:$0x3F7A] =	sst s4  }
0xd: {  	[smem:$0x3F7B] =	sst s5  }
0xe: {  	[smem:$0x3F7C] =	sst s6  }
0xf: {  	[smem:$0x3F7D] =	sst s7  }
0x10: {  	[smem:$0x3F7E] =	sst s8  }
0x11: {  	[smem:$0x3F7F] =	sst s9;
	s0 =	simm.s32 @!p0 $0x0  }
0x12: {  	s1 =	sld [smem:$0x3F65];
	s0 =	simm.s32 @p0 $0x1  }
0x13: {  	[smem:$0x3F80] =	sst s0;
	s0 =	simm.s32 @!p1 $0x0  }
0x14: {  	s2 =	sld [smem:$0x3F64];
	s0 =	simm.s32 @p1 $0x1  }
0x15: {  	[smem:$0x3F81] =	sst s0;
	s0 =	simm.s32 @!p2 $0x0  }
0x16: {  	s3 =	sld [smem:$0x3FDB];
	s0 =	simm.s32 @p2 $0x1  }
0x17: {  	s4 =	simm.s32 $0x1BF5;
	[smem:$0x3F83] =	sst s0  }
0x18: {  	s0 =	sld [smem:$0x3F66];
	_ =	swait.ge [sflag:s4], $0x0  }
0x19: {  	s7 =	sld [smem:$0x3F67]  }
0x1a: {  	s8 =	sadd.s32 $0xFFFFE003, lr  }
0x1b: {  	s9 =	sadd.s32 $0xFFFFFEF7, lr;
	s5 =	simm.s32 $0xFFFFFFFF;
	p2 =	slt.u32 s8, $0xFFFFF086  }
0x1c: {  	p1 =	slt.u32 s9, $0xF7A;
	s5 =	simm.s32 @!p2 $0x0  }
0x1d: {  	s5 =	simm.s32 @p1 $0x1;
	p0 =	seq.s32 s7, s2  }
0x1e: {  	s7 =	smul.u32 @!p0 $0xF7A, s2;
	p2 =	seq.s32 @!p0 s5, $0x0  }
0x1f: {  	s9 =	smul.u32 $0xF7A, s1;
	s8 =	simm.s32 @!p0 $0x1BF5;
	p2 =	por !p2, p0  }
0x20: {  	[sflag:s8] =	ssyncset.s32 @!p0 $0xFFFFF086;
	s6 =	sadd.s32 @!p0 s3, s7;
	s7 =	simm.s32 @!p0 $0x108  }
0x21: {  	s3 =	sadd.s32 s3, s9;
	s6 =	sadd.s32 @!p0 $0x88, s6;
	s7 =	simm.s32 @p2 $0x1082  }
0x22: {  	[simem:s7], [sflag:s8] =	dma.local @!p0 [hbm:s6], $0xF7A  }
0x23: {  	s9 =	sor.u32 $0xD0000000, s2;
	s6 =	simm.s32 $0x108;
	_ =	swait.ge @!p0 [sflag:s8], $0x0  }
0x24: {  	s3 =	sadd.s32 $0x88, s3;
	s6 =	simm.s32 @!p1 $0x1082;
	[sflag:s4] =	ssyncset.s32 $0xFFFFF086  }
0x25: {  	[simem:s6], [sflag:s4] =	dma.local [hbm:s3], $0xF7A  }
0x26: {  	[smem:$0x3F67] =	sst s1;
	(tag) =	ssettag s2;
	_ =	strace s9  }
0x27: {  	s1 =	sld [smem:$0x3F77]  }
0x28: {  	s2 =	sld [smem:$0x3F78]  }
0x29: {  	s4 =	sld [smem:$0x3F7A]  }
0x2a: {  	p0 =	seq.s32 s5, $0x0;
	s5 =	sld [smem:$0x3F7B]  }
0x2b: {  	s6 =	sld [smem:$0x3F7C]  }
0x2c: {  	s7 =	sld [smem:$0x3F7D]  }
0x2d: {  	s3 =	simm.s32 $0x108;
	s8 =	sld [smem:$0x3F7E]  }
0x2e: {  	s3 =	simm.s32 @!p0 $0x1082;
	s9 =	sld [smem:$0x3F7F]  }
0x2f: {  	lr =	sadd.s32 s0, s3;
	s0 =	sld [smem:$0x3F76]  }
0x30: {  	s3 =	sld [smem:$0x3F79]  }
0x31: {  	[smem:$0x3F82] =	sst s10  }
0x32: {  	s10 =	sld [smem:$0x3F80];
	_ =	sdelay $0x3  }
0x33: {  	p0 =	seq.s32 s10, $0x1;
	s10 =	sld [smem:$0x3F82];
	_ =	sdelay $0x3  }
0x34: {  	[smem:$0x3F82] =	sst s10  }
0x35: {  	s10 =	sld [smem:$0x3F81];
	_ =	sdelay $0x3  }
0x36: {  	p1 =	seq.s32 s10, $0x1;
	s10 =	sld [smem:$0x3F82];
	_ =	sdelay $0x3  }
0x37: {  	[smem:$0x3F82] =	sst s10  }
0x38: {  	s10 =	sld [smem:$0x3F83]  }
0x39: {  	_ = 	snop;
	(pc) =	sbr.ind lr, $3  }
0x3a: {  	_ = 	snop  }
0x3b: {  	_ = 	snop  }
0x3c: {  	p2 =	seq.s32 s10, $0x1;
	s10 =	sld [smem:$0x3F82]  }
0x3d: {  	_ =	shalt  }
0x3e: {  	_ =	shalt  }
0x3f: {  	_ =	shalt  }
0x40: {  	_ =	shalt  }
0x41: {  	_ =	shalt  }
0x42: {  	_ =	shalt  }
0x43: {  	_ =	shalt  }
0x44: {  	_ =	shalt  }
0x45: {  	_ =	shalt  }
0x46: {  	_ =	shalt  }
0x47: {  	_ =	shalt  }
0x48: {  	_ =	shalt  }
0x49: {  	_ =	shalt  }
0x4a: {  	_ =	shalt  }
0x4b: {  	_ =	shalt  }
0x4c: {  	_ =	shalt  }
0x4d: {  	_ =	shalt  }
0x4e: {  	_ =	shalt  }
0x4f: {  	_ =	shalt  }
0x50: {  	_ =	shalt  }
0x51: {  	_ =	shalt  }
0x52: {  	_ =	shalt  }
0x53: {  	_ =	shalt  }
0x54: {  	_ =	shalt  }
0x55: {  	_ =	shalt  }
0x56: {  	_ =	shalt  }
0x57: {  	_ =	shalt  }
0x58: {  	_ =	shalt  }
0x59: {  	_ =	shalt  }
0x5a: {  	_ =	shalt  }
0x5b: {  	_ =	shalt  }
0x5c: {  	_ =	shalt  }
0x5d: {  	_ =	shalt  }
0x5e: {  	_ =	shalt  }
0x5f: {  	_ =	shalt  }
0x60: {  	_ =	shalt  }
0x61: {  	_ =	shalt  }
0x62: {  	_ =	shalt  }
0x63: {  	_ =	shalt  }
0x64: {  	_ =	shalt  }
0x65: {  	_ =	shalt  }
0x66: {  	_ =	shalt  }
0x67: {  	_ =	shalt  }
0x68: {  	_ =	shalt  }
0x69: {  	_ =	shalt  }
0x6a: {  	_ =	shalt  }
0x6b: {  	_ =	shalt  }
0x6c: {  	_ =	shalt  }
0x6d: {  	_ =	shalt  }
0x6e: {  	_ =	shalt  }
0x6f: {  	_ =	shalt  }
0x70: {  	_ =	shalt  }
0x71: {  	_ =	shalt  }
0x72: {  	_ =	shalt  }
0x73: {  	_ =	shalt  }
0x74: {  	_ =	shalt  }
0x75: {  	_ =	shalt  }
0x76: {  	_ =	shalt  }
0x77: {  	_ =	shalt  }
0x78: {  	_ =	shalt  }
0x79: {  	_ =	shalt  }
0x7a: {  	_ =	shalt  }
0x7b: {  	_ =	shalt  }
0x7c: {  	_ =	shalt  }
0x7d: {  	_ =	shalt  }
0x7e: {  	_ =	shalt  }
0x7f: {  	_ =	shalt  }
0x80: {  	_ =	shalt  }
0x81: {  	_ =	shalt  }
0x82: {  	_ =	shalt  }
0x83: {  	_ =	shalt  }
0x84: {  	_ =	shalt  }
0x85: {  	_ =	shalt  }
0x86: {  	_ =	shalt  }
0x87: {  	_ =	shalt  }
.Lfunc_end0:
.L_simem_size_0:
called_computation.3_lowered:
.L_overlay_start_0:
0x88: {  	s2 =	sld [smem:$0x3FD9]  }
0x89: {  	s3 =	sld [smem:$0x3FFE];
	_ =	sdelay $0x1  }
0x8a: {  	s1 =	srdreg.scid  }
0x8b: {  	s0 =	sand.u32 $0x1, s1  }
0x8c: {  	s17 =	sshll.u32 s0, $0xA;
	s2 =	sadd.s32 s3, s2  }
0x8d: {  	s2 =	sadd.s32 s2, s17  }
0x8e: {  	[smem:$0x3F8E] =	sst s2  }
0x8f: {  	_ = 	snop  }
0x90: {  	(tm) =	ssettm $0x1  }
0x91: {  	s18 =	sld [smem:$0x3FFB];
	_ =	sdelay $0x3  }
0x92: {  	_ =	strace s18  }
0x93: {  	s2 =	sld [smem:$0x3FFC];
	_ =	sdelay $0x3  }
0x94: {  	_ =	strace s2  }
0x95: {  	s2 =	sld [smem:$0x3FFD];
	_ =	sdelay $0x3  }
0x96: {  	_ =	strace s2  }
0x97: {  	_ =	strace $0x8FFFFFFF  }
0x98: {  	s19 =	sld [smem:$0x3FDB];
	_ =	sdelay $0x1  }
0x99: {  	s20 =	simm.s32 $_scs_section_size  }
0x9a: {  	s4 =	simm.s32 $_size__tile_overlayer_lowered;
	s5 =	simm.s32 $_tile_overlayer_lowered  }
0x9b: {  	s6 =	simm.s32 $0x1BFF;
	s21 =	sshll.u32 s5, $0x1;
	s3 =	sadd.s32 s20, s19  }
0x9c: {  	s22 =	simm.s32 $0x0;
	s4 =	sshll.u32 s4, $0x1;
	s5 =	sadd.s32 s21, s3  }
0x9d: {  	[timem:s22], [sflag:s6] =	dma.local [hbm:s5], s4  }
0x9e: {  	_ =	swait.ge [sflag:s6], s4  }
0x9f: {  	s4 =	ssub.s32 $0x0, s4;
	[sflag:s6] =	ssyncset.done $0x0  }
0xa0: {  	[sflag:s6] =	ssyncadd.s32 s4;
	_ =	sdelay $0x1  }
0xa1: {  	s23 =	simm.s32 $0x1B8B  }
0xa2: {  	_ =	swait.ge [sflag:s23], $0x1  }
0xa3: {  	[sflag:s23] =	ssyncset.done $0x0  }
0xa4: {  	[sflag:s23] =	ssyncadd.s32 $0xFFFFFFFF  }
0xa5: {  	s4 =	sld [smem:$0x0]  }
0xa6: {  	s5 =	sand.u32 $0xFFFFFFFE, s1  }
0xa7: {  	p0 =	sne.s32 s1, s5  }
0xa8: {  	s5 =	sshll.u32 @p0 s5, $0xE  }
0xa9: {  	s5 =	sadd.s32 @p0 $0x11B8D, s5;
	s6 =	sshll.u32 @p0 s4, $0x11  }
0xaa: {  	s5 =	sor.u32 @p0 s6, s5  }
0xab: {  	[sflag:s5] =	ssyncadd.remote.s32 @p0 $0x1;
	_ =	sdelay $0x1  }
0xac: {  	s5 =	simm.s32 @p0 $0x1B8D  }
0xad: {  	_ =	swait.eq @p0 [sflag:s5], $0x1  }
0xae: {  	[sflag:s5] =	ssyncadd.s32 @p0 $0xFFFFFFFF  }
0xaf: {  	s6 =	sshll.u32 @!p0 s1, $0xE  }
0xb0: {  	s6 =	sor.u32 @!p0 $0x4000, s6;
	s5 =	simm.s32 @!p0 $0x1B8D  }
0xb1: {  	s4 =	sshll.u32 @!p0 s4, $0x11;
	s6 =	sadd.s32 @!p0 $0x11B8D, s6;
	_ =	swait.eq @!p0 [sflag:s5], $0x1  }
0xb2: {  	s4 =	sor.u32 @!p0 s4, s6;
	[sflag:s5] =	ssyncadd.s32 @!p0 $0xFFFFFFFF  }
0xb3: {  	s25 =	simm.s32 $0x1B8E;
	s24 =	sld [smem:$0x3FFE];
	[sflag:s4] =	ssyncadd.remote.s32 @!p0 $0x1  }
0xb4: {  	s26 =	simm.s32 $execute0_lowered;
	[smem:$0x3FD2] =	sst s25  }
0xb5: {  	s5 =	sshll.u32 s26, $0x1;
	_ =	strace $0x80000052;
	[dreg:$0x1] =	wrdreg $0xFFFFFFFF  }
0xb6: {  	s28 =	simm.s32 $_size_execute0_lowered;
	s3 =	sadd.s32 s3, s5;
	[dreg:$0x0] =	wrdreg $0x0  }
0xb7: {  	s5 =	sshll.u32 s28, $0x1;
	[dreg:$0x2] =	wrdreg s3  }
0xb8: {  	[dreg:$0x3] =	wrdreg s5  }
0xb9: {  	[dreg:$0x4] =	wrdreg $0xC0  }
0xba: {  	_ =	task [dreg:s22], $0x5FFFF  }
0xbb: {  	[dreg:$0x1] =	wrdreg $0xFFFFFFFF  }
0xbc: {  	[dreg:$0x0] =	wrdreg $0x60  }
0xbd: {  	[dreg:$0x2] =	wrdreg s24  }
0xbe: {  	[dreg:$0x3] =	wrdreg $0xA  }
0xbf: {  	_ =	task.clear_ibuf [dreg:s22], $0x4FFFF;
	_ =	strace $0x90000052  }
0xc0: {  	s29 =	simm.s32 $0xA;
	_ =	strace $0x80000054  }
0xc1: {  	_ =	swait.ge [sflag:s29], $0x1  }
0xc2: {  	[sflag:s29] =	ssyncadd.s32 $0xFFFFFFFF  }
0xc3: {  	_ =	strace $0x90000054  }
0xc4: {  	_ =	sfence  }
0xc5: {  	s30 =	sld [smem:$0x0];
	_ =	sdelay $0x2  }
0xc6: {  	s31 =	sshll.u32 s1, $0xD;
	s1 =	sshrl.u32 s1, $0x2  }
0xc7: {  	s4 =	sand.u32 $0x4000, s31;
	s1 =	sadd.s32 s1, s30  }
0xc8: {  	s0 =	sor.u32 s4, s0;
	s1 =	sshll.u32 s1, $0x11  }
0xc9: {  	s0 =	sor.u32 s1, s0  }
0xca: {  	s0 =	sadd.s32 $0x8F2B, s0  }
0xcb: {  	[sflag:s0] =	ssyncadd.remote.s32 $0x1  }
0xcc: {  	_ =	sfence.sel $0xFFFF  }
0xcd: {  	[dreg:$0x0] =	wrdreg $0xFFFFFFFF;
	(pc) =	sbr.abs _section_cstart, $3  }
0xce: {  	[dreg:$0x1] =	wrdreg $0xFFFFFFFF  }
0xcf: {  	_ =	task.clear_ibuf [dreg:s22], $0x2FFFF;
	_ =	strace $0x9FFFFFFF  }
0xd0: {  	(tm) =	ssettm $0x7FFFFFFF  }
0xd1: {  	_ =	shalt  }
tec
execute0_lowered:
.L_overlay_start_1:
0x0: {  	(tag) =	ssettag $0x1  }
0x1: {  	s5 =	rddreg [dreg:$0x0]  }
0x2: {  	s0 =	rddreg [dreg:$0x1];
	s2 =	simm.s32 $0x0;
	s3 =	srdreg.scid  }
0x3: {  	s1 =	stileid.u32;
	s11 =	simm.s32 $0x1000;
	s12 =	simm.s32 $0x2F80  }
0x4: {  	s13 =	simm.s32 $0x4F00;
	s6 =	sand.u32 $0x1, s3;
	s31 =	sshll.u32 s1, $0x1  }
0x5: {  	s14 =	simm.s32 $0x7680;
	s15 =	simm.s32 $0x0;
	s7 =	sor.u32 s6, s31  }
0x6: {  	s3 =	sadd.s32 $0x323800, s5;
	s4 =	sadd.s32 $0x32600, s5;
	s8 =	smul.u32 $0x4E20, s7  }
0x7: {  	s9 =	sadd.s32 $0x45C000, s5;
	s6 =	ssub.s32 $0x2, s6;
	s5 =	smul.u32 $0x4E200, s7  }
0x8: {  	[smem:$0x7FF] =	sst s2;
	s10 =	sshrl.u32 s6, $0x1;
	s7 =	smul.u32 $0x9C4, s7  }
0x9: {  	_ =	strace $0x80000053;
	s10 =	ssub.s32 s6, s10;
	s8 =	sshrl.u32 s8, $0x3  }
0xa: {  	s6 =	sadd.s32 $0x27100, s5;
	s7 =	sadd.s32 s9, s7;
	s8 =	sadd.s32 s9, s8  }
0xb: {  	v0 =	vimm.f32 $0.0e+00;
	s9 =	smax.u32 s10, $0x1;
	s10 =	simm.s32 $0x1;
	s8 =	sadd.s32 $0x4E2, s8  }
.LBB2_1:
0xc: {  	s16 =	simm.s32 $0x40;
	s17 =	simm.s32 $0x0  }
.LBB2_2:
0xd: {  	p0 =	sne.s32 s16, $0x9C00;
	[tilespmem:s17+$0x4F00] =	vst v0;
	s18 =	smov.u32 s16;
	s16 =	sadd.s32 $0x40, s16  }
.Ltmp0:
0xe: {  	[tilespmem:s17+$0x7680] =	vst v0;
	(pc) =	sbr.rel @p0 .LBB2_2-.Ltmp0, $2  }
0xf: {  	_ =	sdelay $0x2  }
0x10: {  	s17 =	sshra.s32 s18, $0x2  }
0x11: {  	[tilespmem:s17+$0x4F00] =	vst v0  }
0x12: {  	s16 =	simm.s32 $0x0;
	[tilespmem:s17+$0x7680] =	vst v0;
	s17 =	simm.s32 $0x0  }
.LBB2_4:
0x13: {  	s18 =	smul.u32 $0x1F4, s17;
	_ =	sdelay $0x1  }
0x14: {  	s19 =	smul.u32 $0x1F40, s17;
	s18 =	sadd.s32 s4, s18  }
0x15: {  	[tilespmem:s16], [sflag:$0x1] =	stream.linear.gather [hbm4b:s18+s16], $0xFA0, $0x38;
	[tilespmem:$0x9E00] =	vst v63  }
0x16: {  	s30 =	sadd.s32 s5, s19;
	_ =	swait.ge [sflag:s10], $0xFA0  }
0x17: {  	s18 =	sshrl.u32 s30, $0x3;
	[sflag:s10] =	ssyncset.done $0x0  }
0x18: {  	s18 =	sadd.s32 s3, s18;
	[sflag:s10] =	ssyncadd.s32 $0xFFFFF060  }
0x19: {  	[tilespmem:s11], [sflag:$0x1] =	stream.linear.gather [hbm4b:s18+s16], $0x1F40, $0x38;
	[tilespmem:$0x9E00] =	vst v63  }
0x1a: {  	s31 =	sadd.s32 s6, s19;
	_ =	swait.ge [sflag:s10], $0x1F40  }
0x1b: {  	s18 =	sshrl.u32 s31, $0x3;
	[sflag:s10] =	ssyncset.done $0x0  }
0x1c: {  	s18 =	sadd.s32 s3, s18;
	[sflag:s10] =	ssyncadd.s32 $0xFFFFE0C0  }
0x1d: {  	[tilespmem:s12], [sflag:$0x1] =	stream.linear.gather [hbm4b:s18+s16], $0x1F40, $0x38;
	[tilespmem:$0x9E00] =	vst v63  }
0x1e: {  	_ =	swait.ge [sflag:s10], $0x1F40  }
0x1f: {  	[sflag:s10] =	ssyncset.done $0x0  }
0x20: {  	s19 =	simm.s32 $0x40;
	s18 =	simm.s32 $0x0;
	[sflag:s10] =	ssyncadd.s32 $0xFFFFE0C0  }
.LBB2_5:
0x21: {  	p0 =	sne.s32 s19, $0x3E40;
	v1 =	vld [tilespmem:s18+$0x0]  }
0x22: {  	v2 =	vld [tilespmem:s18+$0x1000];
	_ =	sdelay $0x3  }
0x23: {  	v3 =	vand.u32 $0xFFFF, v1;
	_ =	sdelay $0x4  }
0x24: {  	[tilespmem:v3+s13+$0x0] =	vst.idx.add.f32.msk $0xffff, v2  }
0x25: {  	v2 =	vld [tilespmem:s18+$0x2F80];
	_ =	sdelay $0x4  }
0x26: {  	[tilespmem:v3+s14+$0x0] =	vst.idx.add.f32.msk $0xffff, v2  }
0x27: {  	v1 =	vshra.s32 v1, $0x10;
	v2 =	vld [tilespmem:s18+$0x1FA0];
	_ =	sdelay $0x4  }
0x28: {  	[tilespmem:v1+s13+$0x0] =	vst.idx.add.f32.msk $0xffff, v2  }
0x29: {  	v2 =	vld [tilespmem:s18+$0x3F20]  }
.Ltmp1:
0x2a: {  	(pc) =	sbr.rel @p0 .LBB2_5-.Ltmp1, $2  }
0x2b: {  	_ =	sdelay $0x2  }
0x2c: {  	s18 =	sshra.s32 s19, $0x2;
	s19 =	sadd.s32 $0x40, s19;
	[tilespmem:v1+s14+$0x0] =	vst.idx.add.f32.msk $0xffff, v2  }
0x2d: {  	v1 =	vld [tilespmem:s18+$0x0];
	_ =	sdelay $0x4  }
0x2e: {  	v2 =	vld [tilespmem:s18+$0x1000];
	v3 =	vand.u32 $0xFFFF, v1;
	_ =	sdelay $0x4  }
0x2f: {  	[tilespmem:v3+s13+$0x0] =	vst.idx.add.f32.msk $0xffff, v2  }
0x30: {  	v2 =	vld [tilespmem:s18+$0x2F80];
	_ =	sdelay $0x4  }
0x31: {  	[tilespmem:v3+s14+$0x0] =	vst.idx.add.f32.msk $0xffff, v2  }
0x32: {  	v1 =	vshra.s32 v1, $0x10;
	v2 =	vld [tilespmem:s18+$0x1FA0];
	_ =	sdelay $0x4  }
0x33: {  	s17 =	sadd.s32 $0x1, s17;
	[tilespmem:v1+s13+$0x0] =	vst.idx.add.f32.msk $0xffff, v2  }
0x34: {  	p0 =	sne.s32 s17, $0x14;
	v2 =	vld [tilespmem:s18+$0x3F20]  }
.Ltmp2:
0x35: {  	_ = 	snop;
	(pc) =	sbr.rel @p0 .LBB2_4-.Ltmp2, $2  }
0x36: {  	_ =	sdelay $0x2  }
0x37: {  	[tilespmem:v1+s14+$0x0] =	vst.idx.add.f32.msk $0xffff, v2  }
0x38: {  	[hbm4b:s7+s2] =	stream.linear.scatter [tilespmem:s13], [sflag:$0x1], $0x2710, $0x38;
	[tilespmem:$0x9E00] =	vst v63  }
0x39: {  	s15 =	sadd.s32 $0x1, s15;
	_ =	swait.ge [sflag:s10], $0x2710  }
0x3a: {  	p0 =	sne.s32 s15, s9;
	[sflag:s10] =	ssyncset.done $0x0  }
.Ltmp3:
0x3b: {  	[sflag:s10] =	ssyncadd.s32 $0xFFFFD8F0;
	(pc) =	sbr.rel @p0 .LBB2_1-.Ltmp3, $4  }
0x3c: {  	[hbm4b:s8+s2] =	stream.linear.scatter [tilespmem:s14], [sflag:$0x1], $0x2710, $0x38;
	[tilespmem:$0x9E00] =	vst v63  }
0x3d: {  	_ =	swait.ge [sflag:s10], $0x2710  }
0x3e: {  	[sflag:s10] =	ssyncset.done $0x0  }
0x3f: {  	[sflag:s10] =	ssyncadd.s32 $0xFFFFD8F0  }
0x40: {  	_ =	sfence.sel $0x180000  }
0x41: {  	[bflag:$0x0] =	sbarrier.arrive $0xFFFF  }
0x42: {  	p0 =	sne.s32 s1, $0x0;
	_ =	strace $0x90000053  }
0x43: {  	s0 =	sadd.s32 @!p0 $0x100000, s0;
	[bflag:$0x2] =	sbarrier.arrive $0xFFFF  }
0x44: {  	[sflag:s0] =	ssyncadd.tile.s32 @!p0 $0x1;
	_ =	shalt  }
.Lfunc_end2:
_tile_overlayer_lowered:
.L_overlay_start_2:
0x45: {  	(tag) =	ssettag $0x2  }
0x46: {  	s0 =	rddreg [dreg:$0x0];
	s2 =	stileid.u32  }
0x47: {  	s1 =	rddreg [dreg:$0x1];
	p0 =	sne.s32 s2, $0x0  }
0x48: {  	s3 =	rddreg [dreg:$0x2];
	[bflag:$0x3] =	sbarrier.arrive $0xFFFF;
	s2 =	simm.s32 @!p0 $0x1C01  }
0x49: {  	[timem:s3], [sflag:s2] =	dma.local @!p0 [hbm:s0], s1  }
0x4a: {  	s0 =	simm.s32 @!p0 $0x1  }
0x4b: {  	_ =	swait.ge @!p0 [sflag:s0], s1  }
0x4c: {  	s1 =	ssub.s32 @!p0 $0x0, s1;
	[sflag:s0] =	ssyncset.done @!p0 $0x0  }
0x4d: {  	[sflag:s0] =	ssyncadd.s32 @!p0 s1  }
0x4e: {  	[bflag:$0x3] =	sbarrier.arrive $0xFFFF  }
0x4f: {  	_ =	shalt  }

// kernel: kernel.10.cloned.1.call-start
scs
__scs_entry_jumppad:
0x0: {  	(pc) =	sbr.rel $0x88, $3  }
0x1: {  	(tag) =	ssettag $0x0;
	lr =	simm.s32 $0x1  }
0x2: {  	[smem:$0x3F67] =	sst lr;
	_ =	strace $0xD0000000  }
0x3: {  	_ = 	snop  }
0x4: {  	_ = 	snop  }
0x5: {  	_ = 	snop  }
0x6: {  	_ = 	snop  }
0x7: {  	_ = 	snop  }
__scs_overlays_trampoline_lowered:
0x8: {  	[smem:$0x3F76] =	sst s0  }
0x9: {  	[smem:$0x3F77] =	sst s1  }
0xa: {  	[smem:$0x3F78] =	sst s2  }
0xb: {  	[smem:$0x3F79] =	sst s3  }
0xc: {  	[smem:$0x3F7A] =	sst s4  }
0xd: {  	[smem:$0x3F7B] =	sst s5  }
0xe: {  	[smem:$0x3F7C] =	sst s6  }
0xf: {  	[smem:$0x3F7D] =	sst s7  }
0x10: {  	[smem:$0x3F7E] =	sst s8  }
0x11: {  	[smem:$0x3F7F] =	sst s9;
	s0 =	simm.s32 @!p0 $0x0  }
0x12: {  	s1 =	sld [smem:$0x3F65];
	s0 =	simm.s32 @p0 $0x1  }
0x13: {  	[smem:$0x3F80] =	sst s0;
	s0 =	simm.s32 @!p1 $0x0  }
0x14: {  	s2 =	sld [smem:$0x3F64];
	s0 =	simm.s32 @p1 $0x1  }
0x15: {  	[smem:$0x3F81] =	sst s0;
	s0 =	simm.s32 @!p2 $0x0  }
0x16: {  	s3 =	sld [smem:$0x3FDB];
	s0 =	simm.s32 @p2 $0x1  }
0x17: {  	s4 =	simm.s32 $0x1BF5;
	[smem:$0x3F83] =	sst s0  }
0x18: {  	s0 =	sld [smem:$0x3F66];
	_ =	swait.ge [sflag:s4], $0x0  }
0x19: {  	s7 =	sld [smem:$0x3F67]  }
0x1a: {  	s8 =	sadd.s32 $0xFFFFE003, lr  }
0x1b: {  	s9 =	sadd.s32 $0xFFFFFEF7, lr;
	s5 =	simm.s32 $0xFFFFFFFF;
	p2 =	slt.u32 s8, $0xFFFFF086  }
0x1c: {  	p1 =	slt.u32 s9, $0xF7A;
	s5 =	simm.s32 @!p2 $0x0  }
0x1d: {  	s5 =	simm.s32 @p1 $0x1;
	p0 =	seq.s32 s7, s2  }
0x1e: {  	s7 =	smul.u32 @!p0 $0xF7A, s2;
	p2 =	seq.s32 @!p0 s5, $0x0  }
0x1f: {  	s9 =	smul.u32 $0xF7A, s1;
	s8 =	simm.s32 @!p0 $0x1BF5;
	p2 =	por !p2, p0  }
0x20: {  	[sflag:s8] =	ssyncset.s32 @!p0 $0xFFFFF086;
	s6 =	sadd.s32 @!p0 s3, s7;
	s7 =	simm.s32 @!p0 $0x108  }
0x21: {  	s3 =	sadd.s32 s3, s9;
	s6 =	sadd.s32 @!p0 $0x88, s6;
	s7 =	simm.s32 @p2 $0x1082  }
0x22: {  	[simem:s7], [sflag:s8] =	dma.local @!p0 [hbm:s6], $0xF7A  }
0x23: {  	s9 =	sor.u32 $0xD0000000, s2;
	s6 =	simm.s32 $0x108;
	_ =	swait.ge @!p0 [sflag:s8], $0x0  }
0x24: {  	s3 =	sadd.s32 $0x88, s3;
	s6 =	simm.s32 @!p1 $0x1082;
	[sflag:s4] =	ssyncset.s32 $0xFFFFF086  }
0x25: {  	[simem:s6], [sflag:s4] =	dma.local [hbm:s3], $0xF7A  }
0x26: {  	[smem:$0x3F67] =	sst s1;
	(tag) =	ssettag s2;
	_ =	strace s9  }
0x27: {  	s1 =	sld [smem:$0x3F77]  }
0x28: {  	s2 =	sld [smem:$0x3F78]  }
0x29: {  	s4 =	sld [smem:$0x3F7A]  }
0x2a: {  	p0 =	seq.s32 s5, $0x0;
	s5 =	sld [smem:$0x3F7B]  }
0x2b: {  	s6 =	sld [smem:$0x3F7C]  }
0x2c: {  	s7 =	sld [smem:$0x3F7D]  }
0x2d: {  	s3 =	simm.s32 $0x108;
	s8 =	sld [smem:$0x3F7E]  }
0x2e: {  	s3 =	simm.s32 @!p0 $0x1082;
	s9 =	sld [smem:$0x3F7F]  }
0x2f: {  	lr =	sadd.s32 s0, s3;
	s0 =	sld [smem:$0x3F76]  }
0x30: {  	s3 =	sld [smem:$0x3F79]  }
0x31: {  	[smem:$0x3F82] =	sst s10  }
0x32: {  	s10 =	sld [smem:$0x3F80];
	_ =	sdelay $0x3  }
0x33: {  	p0 =	seq.s32 s10, $0x1;
	s10 =	sld [smem:$0x3F82];
	_ =	sdelay $0x3  }
0x34: {  	[smem:$0x3F82] =	sst s10  }
0x35: {  	s10 =	sld [smem:$0x3F81];
	_ =	sdelay $0x3  }
0x36: {  	p1 =	seq.s32 s10, $0x1;
	s10 =	sld [smem:$0x3F82];
	_ =	sdelay $0x3  }
0x37: {  	[smem:$0x3F82] =	sst s10  }
0x38: {  	s10 =	sld [smem:$0x3F83]  }
0x39: {  	_ = 	snop;
	(pc) =	sbr.ind lr, $3  }
0x3a: {  	_ = 	snop  }
0x3b: {  	_ = 	snop  }
0x3c: {  	p2 =	seq.s32 s10, $0x1;
	s10 =	sld [smem:$0x3F82]  }
0x3d: {  	_ =	shalt  }
0x3e: {  	_ =	shalt  }
0x3f: {  	_ =	shalt  }
0x40: {  	_ =	shalt  }
0x41: {  	_ =	shalt  }
0x42: {  	_ =	shalt  }
0x43: {  	_ =	shalt  }
0x44: {  	_ =	shalt  }
0x45: {  	_ =	shalt  }
0x46: {  	_ =	shalt  }
0x47: {  	_ =	shalt  }
0x48: {  	_ =	shalt  }
0x49: {  	_ =	shalt  }
0x4a: {  	_ =	shalt  }
0x4b: {  	_ =	shalt  }
0x4c: {  	_ =	shalt  }
0x4d: {  	_ =	shalt  }
0x4e: {  	_ =	shalt  }
0x4f: {  	_ =	shalt  }
0x50: {  	_ =	shalt  }
0x51: {  	_ =	shalt  }
0x52: {  	_ =	shalt  }
0x53: {  	_ =	shalt  }
0x54: {  	_ =	shalt  }
0x55: {  	_ =	shalt  }
0x56: {  	_ =	shalt  }
0x57: {  	_ =	shalt  }
0x58: {  	_ =	shalt  }
0x59: {  	_ =	shalt  }
0x5a: {  	_ =	shalt  }
0x5b: {  	_ =	shalt  }
0x5c: {  	_ =	shalt  }
0x5d: {  	_ =	shalt  }
0x5e: {  	_ =	shalt  }
0x5f: {  	_ =	shalt  }
0x60: {  	_ =	shalt  }
0x61: {  	_ =	shalt  }
0x62: {  	_ =	shalt  }
0x63: {  	_ =	shalt  }
0x64: {  	_ =	shalt  }
0x65: {  	_ =	shalt  }
0x66: {  	_ =	shalt  }
0x67: {  	_ =	shalt  }
0x68: {  	_ =	shalt  }
0x69: {  	_ =	shalt  }
0x6a: {  	_ =	shalt  }
0x6b: {  	_ =	shalt  }
0x6c: {  	_ =	shalt  }
0x6d: {  	_ =	shalt  }
0x6e: {  	_ =	shalt  }
0x6f: {  	_ =	shalt  }
0x70: {  	_ =	shalt  }
0x71: {  	_ =	shalt  }
0x72: {  	_ =	shalt  }
0x73: {  	_ =	shalt  }
0x74: {  	_ =	shalt  }
0x75: {  	_ =	shalt  }
0x76: {  	_ =	shalt  }
0x77: {  	_ =	shalt  }
0x78: {  	_ =	shalt  }
0x79: {  	_ =	shalt  }
0x7a: {  	_ =	shalt  }
0x7b: {  	_ =	shalt  }
0x7c: {  	_ =	shalt  }
0x7d: {  	_ =	shalt  }
0x7e: {  	_ =	shalt  }
0x7f: {  	_ =	shalt  }
0x80: {  	_ =	shalt  }
0x81: {  	_ =	shalt  }
0x82: {  	_ =	shalt  }
0x83: {  	_ =	shalt  }
0x84: {  	_ =	shalt  }
0x85: {  	_ =	shalt  }
0x86: {  	_ =	shalt  }
0x87: {  	_ =	shalt  }
.Lfunc_end0:
.L_simem_size_0:
called_computation.4_lowered:
.L_overlay_start_0:
0x88: {  	s2 =	sld [smem:$0x3FD9]  }
0x89: {  	s3 =	sld [smem:$0x3FFE];
	_ =	sdelay $0x1  }
0x8a: {  	s1 =	srdreg.scid  }
0x8b: {  	s0 =	sand.u32 $0x1, s1  }
0x8c: {  	s16 =	sshll.u32 s0, $0xA;
	s2 =	sadd.s32 s3, s2  }
0x8d: {  	s2 =	sadd.s32 s2, s16  }
0x8e: {  	[smem:$0x3F8E] =	sst s2  }
0x8f: {  	_ = 	snop  }
0x90: {  	(tm) =	ssettm $0x1  }
0x91: {  	s17 =	sld [smem:$0x3FFB];
	_ =	sdelay $0x3  }
0x92: {  	_ =	strace s17  }
0x93: {  	s2 =	sld [smem:$0x3FFC];
	_ =	sdelay $0x3  }
0x94: {  	_ =	strace s2  }
0x95: {  	s2 =	sld [smem:$0x3FFD];
	_ =	sdelay $0x3  }
0x96: {  	_ =	strace s2  }
0x97: {  	_ =	strace $0x8FFFFFFF  }
0x98: {  	s18 =	sld [smem:$0x3FDB];
	_ =	sdelay $0x1  }
0x99: {  	s19 =	simm.s32 $_scs_section_size  }
0x9a: {  	s4 =	simm.s32 $_size__tile_overlayer_lowered;
	s5 =	simm.s32 $_tile_overlayer_lowered  }
0x9b: {  	s22 =	simm.s32 $0x1BFF;
	s21 =	sshll.u32 s5, $0x1;
	s2 =	sadd.s32 s19, s18  }
0x9c: {  	s6 =	simm.s32 $0x0;
	s20 =	sshll.u32 s4, $0x1;
	s4 =	sadd.s32 s21, s2  }
0x9d: {  	[timem:s6], [sflag:s22] =	dma.local [hbm:s4], s20  }
0x9e: {  	_ =	swait.ge [sflag:s22], s20  }
0x9f: {  	s3 =	ssub.s32 $0x0, s20;
	[sflag:s22] =	ssyncset.done $0x0  }
0xa0: {  	[sflag:s22] =	ssyncadd.s32 s3;
	_ =	sdelay $0x1  }
0xa1: {  	s23 =	simm.s32 $0x1B8B  }
0xa2: {  	_ =	swait.ge [sflag:s23], $0x1  }
0xa3: {  	[sflag:s23] =	ssyncset.done $0x0  }
0xa4: {  	s25 =	simm.s32 $0x1B8E;
	s24 =	sld [smem:$0x3FFE];
	[sflag:s23] =	ssyncadd.s32 $0xFFFFFFFF  }
0xa5: {  	s26 =	simm.s32 $execute0_lowered;
	[smem:$0x3FD2] =	sst s25  }
0xa6: {  	s4 =	sshll.u32 s26, $0x1;
	_ =	strace $0x80000046;
	[dreg:$0x1] =	wrdreg $0xFFFFFFFF  }
0xa7: {  	s28 =	simm.s32 $_size_execute0_lowered;
	s2 =	sadd.s32 s2, s4;
	[dreg:$0x0] =	wrdreg $0x0  }
0xa8: {  	s4 =	sshll.u32 s28, $0x1;
	[dreg:$0x2] =	wrdreg s2  }
0xa9: {  	[dreg:$0x3] =	wrdreg s4  }
0xaa: {  	[dreg:$0x4] =	wrdreg $0xC0  }
0xab: {  	_ =	task [dreg:s6], $0x5FFFF  }
0xac: {  	[dreg:$0x1] =	wrdreg $0xFFFFFFFF  }
0xad: {  	[dreg:$0x0] =	wrdreg $0x60  }
0xae: {  	[dreg:$0x2] =	wrdreg s24  }
0xaf: {  	[dreg:$0x3] =	wrdreg $0x9  }
0xb0: {  	_ =	task.clear_ibuf [dreg:s6], $0x4FFFF;
	_ =	strace $0x90000046  }
0xb1: {  	s29 =	simm.s32 $0x9;
	_ =	strace $0x80000048  }
0xb2: {  	_ =	swait.ge [sflag:s29], $0x1  }
0xb3: {  	[sflag:s29] =	ssyncadd.s32 $0xFFFFFFFF  }
0xb4: {  	_ =	strace $0x90000048  }
0xb5: {  	_ =	sfence  }
0xb6: {  	s30 =	sld [smem:$0x0];
	_ =	sdelay $0x2  }
0xb7: {  	s31 =	sshll.u32 s1, $0xD;
	s1 =	sshrl.u32 s1, $0x2  }
0xb8: {  	s3 =	sand.u32 $0x4000, s31;
	s1 =	sadd.s32 s1, s30  }
0xb9: {  	s0 =	sor.u32 s3, s0;
	s1 =	sshll.u32 s1, $0x11  }
0xba: {  	s0 =	sor.u32 s1, s0  }
0xbb: {  	s0 =	sadd.s32 $0x8F2B, s0  }
0xbc: {  	[sflag:s0] =	ssyncadd.remote.s32 $0x1  }
0xbd: {  	_ =	sfence.sel $0xFFFF  }
0xbe: {  	[dreg:$0x0] =	wrdreg $0xFFFFFFFF;
	(pc) =	sbr.abs _section_cstart, $3  }
0xbf: {  	[dreg:$0x1] =	wrdreg $0xFFFFFFFF  }
0xc0: {  	_ =	task.clear_ibuf [dreg:s6], $0x2FFFF;
	_ =	strace $0x9FFFFFFF  }
0xc1: {  	(tm) =	ssettm $0x7FFFFFFF  }
tec
execute0_lowered:
.L_overlay_start_1:
0x0: {  	(tag) =	ssettag $0x1  }
0x1: {  	s1 =	srdreg.scid;
	s0 =	stileid.u32  }
0x2: {  	s4 =	sand.u32 $0x1, s1;
	s2 =	sshll.u32 s0, $0x1  }
0x3: {  	s3 =	rddreg [dreg:$0x0];
	s5 =	sor.u32 s4, s2  }
0x4: {  	s7 =	simm.s32 $0x2780;
	s8 =	simm.s32 $0x0;
	s5 =	smul.u32 $0x4E2, s5  }
0x5: {  	s1 =	rddreg [dreg:$0x1];
	s2 =	simm.s32 $0x0;
	s4 =	ssub.s32 $0x2, s4  }
0x6: {  	[smem:$0x7FF] =	sst s2;
	s6 =	sshrl.u32 s4, $0x1;
	s5 =	sadd.s32 s5, s3  }
0x7: {  	_ =	strace $0x80000047;
	s6 =	ssub.s32 s4, s6;
	s3 =	sadd.s32 $0x15C00, s5  }
0x8: {  	v0 =	vimm.f32 $0.0e+00;
	v1 =	vimm.f32 $1.000000000e+00;
	s4 =	sadd.s32 $0x1FA00, s5;
	s5 =	smax.u32 s6, $0x1;
	s6 =	simm.s32 $0x1  }
.LBB2_1:
0x9: {  	s9 =	simm.s32 $0x40;
	s10 =	simm.s32 $0x0  }
.LBB2_2:
0xa: {  	p0 =	sne.s32 s9, $0x9C00;
	[tilespmem:s10+$0x2780] =	vst v0;
	s10 =	smov.u32 s9;
	s9 =	sadd.s32 $0x40, s9  }
.Ltmp0:
0xb: {  	(pc) =	sbr.rel @p0 .LBB2_2-.Ltmp0, $2  }
0xc: {  	_ =	sdelay $0x2  }
0xd: {  	s10 =	sshra.s32 s10, $0x2  }
0xe: {  	[tilespmem:s10+$0x2780] =	vst v0;
	s9 =	simm.s32 $0x0  }
0xf: {  	[tilespmem:s9], [sflag:$0x1] =	stream.linear.gather [hbm4b:s3+s9], $0x2710, $0x38;
	[tilespmem:$0x4F00] =	vst v63  }
0x10: {  	_ =	swait.ge [sflag:s6], $0x2710  }
0x11: {  	[sflag:s6] =	ssyncset.done $0x0  }
0x12: {  	s10 =	simm.s32 $0x0;
	s9 =	simm.s32 $0x40;
	[sflag:s6] =	ssyncadd.s32 $0xFFFFD8F0  }
.LBB2_4:
0x13: {  	p0 =	sne.s32 s9, $0x9C00;
	v2 =	vld [tilespmem:s10+$0x0];
	_ =	sdelay $0x3  }
.Ltmp1:
0x14: {  	(pc) =	sbr.rel @p0 .LBB2_4-.Ltmp1, $2  }
0x15: {  	_ =	sdelay $0x2  }
0x16: {  	s10 =	sshra.s32 s9, $0x2;
	s9 =	sadd.s32 $0x40, s9;
	[tilespmem:v2+s7+$0x0] =	vst.idx.add.f32.msk $0xffff, v1  }
0x17: {  	v2 =	vld [tilespmem:s10+$0x0];
	_ =	sdelay $0x5  }
0x18: {  	s8 =	sadd.s32 $0x1, s8  }
0x19: {  	p0 =	sne.s32 s8, s5  }
.Ltmp2:
0x1a: {  	[tilespmem:v2+s7+$0x0] =	vst.idx.add.f32.msk $0xffff, v1;
	(pc) =	sbr.rel @p0 .LBB2_1-.Ltmp2, $4  }
0x1b: {  	[hbm4b:s4+s2] =	stream.linear.scatter [tilespmem:s7], [sflag:$0x1], $0x2710, $0x38;
	[tilespmem:$0x4F00] =	vst v63  }
0x1c: {  	_ =	swait.ge [sflag:s6], $0x2710  }
0x1d: {  	[sflag:s6] =	ssyncset.done $0x0  }
0x1e: {  	[sflag:s6] =	ssyncadd.s32 $0xFFFFD8F0  }
0x1f: {  	_ =	sfence.sel $0x180000  }
0x20: {  	[bflag:$0x0] =	sbarrier.arrive $0xFFFF  }
0x21: {  	p0 =	sne.s32 s0, $0x0;
	_ =	strace $0x90000047  }
0x22: {  	s0 =	sadd.s32 @!p0 $0x100000, s1;
	[bflag:$0x2] =	sbarrier.arrive $0xFFFF  }
0x23: {  	[sflag:s0] =	ssyncadd.tile.s32 @!p0 $0x1;
	_ =	shalt  }
.Lfunc_end2:
_tile_overlayer_lowered:
.L_overlay_start_2:
0x24: {  	(tag) =	ssettag $0x2  }
0x25: {  	s0 =	rddreg [dreg:$0x0];
	s2 =	stileid.u32  }
0x26: {  	s1 =	rddreg [dreg:$0x1];
	p0 =	sne.s32 s2, $0x0  }
0x27: {  	s3 =	rddreg [dreg:$0x2];
	[bflag:$0x3] =	sbarrier.arrive $0xFFFF;
	s2 =	simm.s32 @!p0 $0x1C01  }
0x28: {  	[timem:s3], [sflag:s2] =	dma.local @!p0 [hbm:s0], s1  }
0x29: {  	s0 =	simm.s32 @!p0 $0x1  }
0x2a: {  	_ =	swait.ge @!p0 [sflag:s0], s1  }
0x2b: {  	s1 =	ssub.s32 @!p0 $0x0, s1;
	[sflag:s0] =	ssyncset.done @!p0 $0x0  }
0x2c: {  	[sflag:s0] =	ssyncadd.s32 @!p0 s1  }
0x2d: {  	[bflag:$0x3] =	sbarrier.arrive $0xFFFF  }
0x2e: {  	_ =	shalt  }

</sc_bundles>
